<compile_context>
chip_gen: v7x
topology: tpu7x:2x2x1
jax: 0.10.2.dev20260603
libtpu: 0.0.44.dev20260713+nightly
codegen_flags: <defaults>
</compile_context>

<pallas_src>
import functools

import jax
import jax.numpy as jnp
from jax import lax
from jax.experimental import pallas as pl
from jax.experimental.pallas import tpu as pltpu
from jax.experimental.pallas import tpu_sc as plsc

_NUM_CORES = 2
_NUM_SUBCORES = 16
_NW = _NUM_CORES * _NUM_SUBCORES
_C = 128
_K = 4


@functools.lru_cache(maxsize=None)
def _gather_kernel(B, D):
    n_per_w = B // _NW
    n_chunks = n_per_w // _C
    n_groups = n_chunks // _K
    mesh = plsc.VectorSubcoreMesh(core_axis_name="c", subcore_axis_name="s")

    @functools.partial(
        pl.kernel,
        out_type=jax.ShapeDtypeStruct((_NW, n_groups, _K * _C, D), jnp.float32),
        mesh=mesh,
        scratch_types=[
            pltpu.VMEM((n_groups, _K * _C), jnp.int32),
            pltpu.VMEM((2, _K * _C, D), jnp.float32),
            pltpu.SemaphoreType.DMA((2,)),
            pltpu.SemaphoreType.DMA((2,)),
        ],
        compiler_params=pltpu.CompilerParams(use_tc_tiling_on_sc=False),
    )
    def k(idx_hbm, table_hbm, out_hbm, idx_v, rows_v, gsem, osem):
        wid = lax.axis_index("s") * _NUM_CORES + lax.axis_index("c")
        pltpu.sync_copy(idx_hbm.at[wid], idx_v)

        def fire_gathers(g, p):
            pltpu.async_copy(
                table_hbm.at[idx_v.at[g]],
                rows_v.at[p],
                gsem.at[p],
            )

        def drain_gathers(g, p):
            pltpu.make_async_copy(
                table_hbm.at[idx_v.at[g]],
                rows_v.at[p],
                gsem.at[p],
            ).wait()

        def fire_out(g, p):
            pltpu.async_copy(rows_v.at[p], out_hbm.at[wid, g], osem.at[p])

        def wait_out(g, p):
            pltpu.make_async_copy(rows_v.at[p], out_hbm.at[wid, g], osem.at[p]).wait()

        fire_gathers(0, 0)
        fire_gathers(1, 1)
        drain_gathers(0, 0)
        fire_out(0, 0)

        def body(i, carry):
            for p2 in range(2):
                g = 1 + i * 2 + p2
                p = (1 + p2) % 2
                nxt = 1 - p
                wait_out(g - 1, nxt)
                fire_gathers(g + 1, nxt)
                drain_gathers(g, p)
                fire_out(g, p)
            return carry

        lax.fori_loop(0, (n_groups - 2) // 2, body, 0)

        g_last = n_groups - 1
        drain_gathers(g_last, 1)
        fire_out(g_last, 1)
        wait_out(g_last - 1, 0)
        wait_out(g_last, 1)

    return k


def kernel(id_tensor, W):
    S0, S1 = id_tensor.shape
    B = S0 * S1
    D = W.shape[1]
    idx = id_tensor.reshape(_NW, (B // _NW) // (_K * _C), _K * _C)
    out = _gather_kernel(B, D)(idx, W)
    return out.reshape(S0, S1, D)

# --- scband reference (transcript-rebuilt; emitter-appended) ---
"""Pipeline reference for scband-embedding-70437463654965 (READ-ONLY COPY).

The authoritative reference and input builder live on the scoring server;
editing this copy changes nothing except your own understanding.
"""

import jax, jax.numpy as jnp
import numpy as np

NUM_EMBEDDINGS = 1000000
EMBEDDING_DIM = 64

def setup_inputs(seed: int = 0) -> dict:
    key = jax.random.key(seed)
    k_idx, k_w = jax.random.split(key)
    id_tensor = jax.random.randint(k_idx, (16384, 50), 0, NUM_EMBEDDINGS, dtype=jnp.int64 if jax.config.jax_enable_x64 else jnp.int32)
    std = np.sqrt(2.0 / (EMBEDDING_DIM + NUM_EMBEDDINGS))
    # truncated normal in [-3*std, 3*std] with stddev std
    W = jax.random.truncated_normal(k_w, -3.0, 3.0, (NUM_EMBEDDINGS, EMBEDDING_DIM), dtype=jnp.float32) * std
    return {"id_tensor": id_tensor, "W": W}

def reference(id_tensor, W):
    return jnp.take(W, id_tensor, axis=0)

if __name__ == "__main__":
    import jax
    _d = setup_inputs()
    print(jax.jit(kernel)(*tuple(_d.values())))

</pallas_src>

<mosaic_0001>
#map = affine_map<(d0, d1) -> (0, 0, 0)>
#map1 = affine_map<(d0, d1) -> (0, 0)>
#map2 = affine_map<(d0, d1) -> (0, 0, 0, 0)>
module attributes {stable_mosaic.version = 14 : i64} {
  func.func @k(%arg0: i32, %arg1: i32, %arg2: memref<32x50x512xi32, #tpu.memory_space<hbm>>, %arg3: memref<1000000x64xf32, #tpu.memory_space<hbm>>, %arg4: memref<32x50x512x64xf32, #tpu.memory_space<hbm>>, %arg5: memref<50x512xi32, #tpu.memory_space<vmem>>, %arg6: memref<2x512x64xf32, #tpu.memory_space<vmem>>, %arg7: memref<2x!tpu.dma_semaphore, #tpu.memory_space<semaphore_mem>>, %arg8: memref<2x!tpu.dma_semaphore, #tpu.memory_space<semaphore_mem>>) attributes {dimension_semantics = [#tpu.dimension_semantics<core_parallel>, #tpu.dimension_semantics<subcore_parallel>], iteration_bounds = array<i64: 2, 16>, scalar_prefetch = 0 : i64, scratch_operands = 4 : i64, tpu.core_type = #tpu.core_type<sc_vector_subcore>, window_params = [{transform_indices = #map}, {transform_indices = #map1}, {transform_indices = #map2}]} {
    %mul3A = arith.constant 2 : i32
    %mul3A_0 = arith.muli %arg1, %mul3A : i32
    %add3A = arith.addi %mul3A_0, %arg0 : i32
    "tpu.region"() ({
      %run_scoped3A = tpu.sem_alloc : memref<!tpu.dma_semaphore, #tpu.memory_space<semaphore_mem>>
      %dma_start3A_148 = arith.constant 0 : i32
      %dma_start3A_149 = arith.constant 0 : i32
      %dma_start3A_150 = tpu.memref_slice %arg2[%add3A, %dma_start3A_148, %dma_start3A_149] : memref<32x50x512xi32, #tpu.memory_space<hbm>> -> memref<1x50x512xi32, #tpu.memory_space<hbm>>
      %dma_start3A_151 = tpu.memref_squeeze %dma_start3A_150 : memref<1x50x512xi32, #tpu.memory_space<hbm>> -> memref<50x512xi32, #tpu.memory_space<hbm>>
      %dma_start3A_152 = arith.constant 0 : i32
      %dma_start3A_153 = arith.constant 0 : i32
      %dma_start3A_154 = tpu.memref_slice %arg2[%add3A, %dma_start3A_152, %dma_start3A_153] : memref<32x50x512xi32, #tpu.memory_space<hbm>> -> memref<1x50x512xi32, #tpu.memory_space<hbm>>
      %dma_start3A_155 = tpu.memref_squeeze %dma_start3A_154 : memref<1x50x512xi32, #tpu.memory_space<hbm>> -> memref<50x512xi32, #tpu.memory_space<hbm>>
      tpu.enqueue_dma source(%dma_start3A_155 : memref<50x512xi32, #tpu.memory_space<hbm>>) target(%arg5 : memref<50x512xi32, #tpu.memory_space<vmem>>) target_semaphore(%run_scoped3A : memref<!tpu.dma_semaphore, #tpu.memory_space<semaphore_mem>>)
      %dma_wait3A_156 = arith.constant 0 : i32
      %dma_wait3A_157 = arith.constant 0 : i32
      %dma_wait3A_158 = tpu.memref_slice %arg2[%add3A, %dma_wait3A_156, %dma_wait3A_157] : memref<32x50x512xi32, #tpu.memory_space<hbm>> -> memref<1x50x512xi32, #tpu.memory_space<hbm>>
      %dma_wait3A_159 = tpu.memref_squeeze %dma_wait3A_158 : memref<1x50x512xi32, #tpu.memory_space<hbm>> -> memref<50x512xi32, #tpu.memory_space<hbm>>
      %dma_wait3A_160 = arith.constant 0 : i32
      %dma_wait3A_161 = arith.constant 0 : i32
      %dma_wait3A_162 = tpu.memref_slice %arg2[%add3A, %dma_wait3A_160, %dma_wait3A_161] : memref<32x50x512xi32, #tpu.memory_space<hbm>> -> memref<1x50x512xi32, #tpu.memory_space<hbm>>
      %dma_wait3A_163 = tpu.memref_squeeze %dma_wait3A_162 : memref<1x50x512xi32, #tpu.memory_space<hbm>> -> memref<50x512xi32, #tpu.memory_space<hbm>>
      tpu.wait_dma2 semaphore(%run_scoped3A : memref<!tpu.dma_semaphore, #tpu.memory_space<semaphore_mem>>) src(%dma_wait3A_163 : memref<50x512xi32, #tpu.memory_space<hbm>>) dst(%arg5 : memref<50x512xi32, #tpu.memory_space<vmem>>)
      tpu.yield
    }) : () -> ()
    %dma_start3A = arith.constant 0 : i32
    %dma_start3A_1 = arith.constant 0 : i32
    %dma_start3A_2 = arith.constant 0 : i32
    %dma_start3A_3 = arith.constant 0 : i32
    %dma_start3A_4 = arith.constant 0 : i32
    %dma_start3A_5 = tpu.memref_slice %arg6[%dma_start3A_1, %dma_start3A_3, %dma_start3A_4] : memref<2x512x64xf32, #tpu.memory_space<vmem>> -> memref<1x512x64xf32, #tpu.memory_space<vmem>>
    %dma_start3A_6 = tpu.memref_squeeze %dma_start3A_5 : memref<1x512x64xf32, #tpu.memory_space<vmem>> -> memref<512x64xf32, #tpu.memory_space<vmem>>
    %dma_start3A_7 = arith.constant 0 : i32
    %dma_start3A_8 = tpu.memref_slice %arg5[%dma_start3A, %dma_start3A_7] : memref<50x512xi32, #tpu.memory_space<vmem>> -> memref<1x512xi32, #tpu.memory_space<vmem>>
    %dma_start3A_9 = tpu.memref_squeeze %dma_start3A_8 : memref<1x512xi32, #tpu.memory_space<vmem>> -> memref<512xi32, #tpu.memory_space<vmem>>
    %dma_start3A_10 = arith.constant 0 : i32
    %dma_start3A_11 = arith.constant 0 : i32
    %dma_start3A_12 = tpu.memref_slice %arg3[%dma_start3A_10, %dma_start3A_11] : memref<1000000x64xf32, #tpu.memory_space<hbm>> -> memref<1000000x64xf32, #tpu.memory_space<hbm>>
    %dma_start3A_13 = tpu.memref_slice %arg7[%dma_start3A_2] : memref<2x!tpu.dma_semaphore, #tpu.memory_space<semaphore_mem>> -> memref<1x!tpu.dma_semaphore, #tpu.memory_space<semaphore_mem>>
    %dma_start3A_14 = tpu.memref_squeeze %dma_start3A_13 : memref<1x!tpu.dma_semaphore, #tpu.memory_space<semaphore_mem>> -> memref<!tpu.dma_semaphore, #tpu.memory_space<semaphore_mem>>
    tpu.enqueue_indirect_dma source(%dma_start3A_12 : memref<1000000x64xf32, #tpu.memory_space<hbm>>) target(%dma_start3A_6 : memref<512x64xf32, #tpu.memory_space<vmem>>) offsets(%dma_start3A_9 : memref<512xi32, #tpu.memory_space<vmem>>) semaphore(%dma_start3A_14 : memref<!tpu.dma_semaphore, #tpu.memory_space<semaphore_mem>>)
    %dma_start3A_15 = arith.constant 1 : i32
    %dma_start3A_16 = arith.constant 1 : i32
    %dma_start3A_17 = arith.constant 1 : i32
    %dma_start3A_18 = arith.constant 0 : i32
    %dma_start3A_19 = arith.constant 0 : i32
    %dma_start3A_20 = tpu.memref_slice %arg6[%dma_start3A_16, %dma_start3A_18, %dma_start3A_19] : memref<2x512x64xf32, #tpu.memory_space<vmem>> -> memref<1x512x64xf32, #tpu.memory_space<vmem>>
    %dma_start3A_21 = tpu.memref_squeeze %dma_start3A_20 : memref<1x512x64xf32, #tpu.memory_space<vmem>> -> memref<512x64xf32, #tpu.memory_space<vmem>>
    %dma_start3A_22 = arith.constant 0 : i32
    %dma_start3A_23 = tpu.memref_slice %arg5[%dma_start3A_15, %dma_start3A_22] : memref<50x512xi32, #tpu.memory_space<vmem>> -> memref<1x512xi32, #tpu.memory_space<vmem>>
    %dma_start3A_24 = tpu.memref_squeeze %dma_start3A_23 : memref<1x512xi32, #tpu.memory_space<vmem>> -> memref<512xi32, #tpu.memory_space<vmem>>
    %dma_start3A_25 = arith.constant 0 : i32
    %dma_start3A_26 = arith.constant 0 : i32
    %dma_start3A_27 = tpu.memref_slice %arg3[%dma_start3A_25, %dma_start3A_26] : memref<1000000x64xf32, #tpu.memory_space<hbm>> -> memref<1000000x64xf32, #tpu.memory_space<hbm>>
    %dma_start3A_28 = tpu.memref_slice %arg7[%dma_start3A_17] : memref<2x!tpu.dma_semaphore, #tpu.memory_space<semaphore_mem>> -> memref<1x!tpu.dma_semaphore, #tpu.memory_space<semaphore_mem>>
    %dma_start3A_29 = tpu.memref_squeeze %dma_start3A_28 : memref<1x!tpu.dma_semaphore, #tpu.memory_space<semaphore_mem>> -> memref<!tpu.dma_semaphore, #tpu.memory_space<semaphore_mem>>
    tpu.enqueue_indirect_dma source(%dma_start3A_27 : memref<1000000x64xf32, #tpu.memory_space<hbm>>) target(%dma_start3A_21 : memref<512x64xf32, #tpu.memory_space<vmem>>) offsets(%dma_start3A_24 : memref<512xi32, #tpu.memory_space<vmem>>) semaphore(%dma_start3A_29 : memref<!tpu.dma_semaphore, #tpu.memory_space<semaphore_mem>>)
    %dma_wait3A = arith.constant 0 : i32
    %dma_wait3A_30 = arith.constant 0 : i32
    %dma_wait3A_31 = arith.constant 0 : i32
    %dma_wait3A_32 = arith.constant 0 : i32
    %dma_wait3A_33 = arith.constant 0 : i32
    %dma_wait3A_34 = tpu.memref_slice %arg6[%dma_wait3A_30, %dma_wait3A_32, %dma_wait3A_33] : memref<2x512x64xf32, #tpu.memory_space<vmem>> -> memref<1x512x64xf32, #tpu.memory_space<vmem>>
    %dma_wait3A_35 = tpu.memref_squeeze %dma_wait3A_34 : memref<1x512x64xf32, #tpu.memory_space<vmem>> -> memref<512x64xf32, #tpu.memory_space<vmem>>
    %dma_wait3A_36 = arith.constant 0 : i32
    %dma_wait3A_37 = tpu.memref_slice %arg5[%dma_wait3A, %dma_wait3A_36] : memref<50x512xi32, #tpu.memory_space<vmem>> -> memref<1x512xi32, #tpu.memory_space<vmem>>
    %dma_wait3A_38 = tpu.memref_squeeze %dma_wait3A_37 : memref<1x512xi32, #tpu.memory_space<vmem>> -> memref<512xi32, #tpu.memory_space<vmem>>
    %dma_wait3A_39 = arith.constant 0 : i32
    %dma_wait3A_40 = arith.constant 0 : i32
    %dma_wait3A_41 = tpu.memref_slice %arg3[%dma_wait3A_39, %dma_wait3A_40] : memref<1000000x64xf32, #tpu.memory_space<hbm>> -> memref<1000000x64xf32, #tpu.memory_space<hbm>>
    %dma_wait3A_42 = tpu.memref_slice %arg7[%dma_wait3A_31] : memref<2x!tpu.dma_semaphore, #tpu.memory_space<semaphore_mem>> -> memref<1x!tpu.dma_semaphore, #tpu.memory_space<semaphore_mem>>
    %dma_wait3A_43 = tpu.memref_squeeze %dma_wait3A_42 : memref<1x!tpu.dma_semaphore, #tpu.memory_space<semaphore_mem>> -> memref<!tpu.dma_semaphore, #tpu.memory_space<semaphore_mem>>
    tpu.wait_indirect_dma semaphore(%dma_wait3A_43 : memref<!tpu.dma_semaphore, #tpu.memory_space<semaphore_mem>>) src(%dma_wait3A_41 : memref<1000000x64xf32, #tpu.memory_space<hbm>>) dst(%dma_wait3A_35 : memref<512x64xf32, #tpu.memory_space<vmem>>)
    %dma_start3A_44 = arith.constant 0 : i32
    %dma_start3A_45 = arith.constant 0 : i32
    %dma_start3A_46 = arith.constant 0 : i32
    %dma_start3A_47 = arith.constant 0 : i32
    %dma_start3A_48 = arith.constant 0 : i32
    %dma_start3A_49 = tpu.memref_slice %arg6[%dma_start3A_44, %dma_start3A_47, %dma_start3A_48] : memref<2x512x64xf32, #tpu.memory_space<vmem>> -> memref<1x512x64xf32, #tpu.memory_space<vmem>>
    %dma_start3A_50 = tpu.memref_squeeze %dma_start3A_49 : memref<1x512x64xf32, #tpu.memory_space<vmem>> -> memref<512x64xf32, #tpu.memory_space<vmem>>
    %dma_start3A_51 = arith.constant 0 : i32
    %dma_start3A_52 = arith.constant 0 : i32
    %dma_start3A_53 = tpu.memref_slice %arg4[%add3A, %dma_start3A_45, %dma_start3A_51, %dma_start3A_52] : memref<32x50x512x64xf32, #tpu.memory_space<hbm>> -> memref<1x1x512x64xf32, #tpu.memory_space<hbm>>
    %dma_start3A_54 = tpu.memref_squeeze %dma_start3A_53 : memref<1x1x512x64xf32, #tpu.memory_space<hbm>> -> memref<512x64xf32, #tpu.memory_space<hbm>>
    %dma_start3A_55 = tpu.memref_slice %arg8[%dma_start3A_46] : memref<2x!tpu.dma_semaphore, #tpu.memory_space<semaphore_mem>> -> memref<1x!tpu.dma_semaphore, #tpu.memory_space<semaphore_mem>>
    %dma_start3A_56 = tpu.memref_squeeze %dma_start3A_55 : memref<1x!tpu.dma_semaphore, #tpu.memory_space<semaphore_mem>> -> memref<!tpu.dma_semaphore, #tpu.memory_space<semaphore_mem>>
    %dma_start3A_57 = arith.constant 0 : i32
    %dma_start3A_58 = arith.constant 0 : i32
    %dma_start3A_59 = tpu.memref_slice %arg4[%add3A, %dma_start3A_45, %dma_start3A_57, %dma_start3A_58] : memref<32x50x512x64xf32, #tpu.memory_space<hbm>> -> memref<1x1x512x64xf32, #tpu.memory_space<hbm>>
    %dma_start3A_60 = tpu.memref_squeeze %dma_start3A_59 : memref<1x1x512x64xf32, #tpu.memory_space<hbm>> -> memref<512x64xf32, #tpu.memory_space<hbm>>
    %dma_start3A_61 = arith.constant 0 : i32
    %dma_start3A_62 = arith.constant 0 : i32
    %dma_start3A_63 = tpu.memref_slice %arg6[%dma_start3A_44, %dma_start3A_61, %dma_start3A_62] : memref<2x512x64xf32, #tpu.memory_space<vmem>> -> memref<1x512x64xf32, #tpu.memory_space<vmem>>
    %dma_start3A_64 = tpu.memref_squeeze %dma_start3A_63 : memref<1x512x64xf32, #tpu.memory_space<vmem>> -> memref<512x64xf32, #tpu.memory_space<vmem>>
    tpu.enqueue_dma source(%dma_start3A_64 : memref<512x64xf32, #tpu.memory_space<vmem>>) target(%dma_start3A_60 : memref<512x64xf32, #tpu.memory_space<hbm>>) target_semaphore(%dma_start3A_56 : memref<!tpu.dma_semaphore, #tpu.memory_space<semaphore_mem>>)
    %scan3A = arith.constant 0 : i32
    %scan3A_65 = arith.constant 0 : i32
    %scan3A_66 = arith.constant 24 : i32
    %scan3A_67 = arith.addi %scan3A_65, %scan3A_66 : i32
    %scan3A_68 = arith.constant 1 : i32
    scf.for %scan3A_148 = %scan3A_65 to %scan3A_67 step %scan3A_68  : i32 {
      %mul3A_149 = arith.constant 2 : i32
      %mul3A_150 = arith.muli %scan3A_148, %mul3A_149 : i32
      %add3A_151 = arith.constant 1 : i32
      %add3A_152 = arith.addi %add3A_151, %mul3A_150 : i32
      %add3A_153 = arith.constant 0 : i32
      %add3A_154 = arith.addi %add3A_152, %add3A_153 : i32
      %sub3A = arith.constant 1 : i32
      %sub3A_155 = arith.subi %add3A_154, %sub3A : i32
      %dma_wait3A_156 = arith.constant 0 : i32
      %dma_wait3A_157 = arith.constant 0 : i32
      %dma_wait3A_158 = arith.constant 0 : i32
      %dma_wait3A_159 = arith.constant 0 : i32
      %dma_wait3A_160 = tpu.memref_slice %arg6[%dma_wait3A_156, %dma_wait3A_158, %dma_wait3A_159] : memref<2x512x64xf32, #tpu.memory_space<vmem>> -> memref<1x512x64xf32, #tpu.memory_space<vmem>>
      %dma_wait3A_161 = tpu.memref_squeeze %dma_wait3A_160 : memref<1x512x64xf32, #tpu.memory_space<vmem>> -> memref<512x64xf32, #tpu.memory_space<vmem>>
      %dma_wait3A_162 = arith.constant 0 : i32
      %dma_wait3A_163 = arith.constant 0 : i32
      %dma_wait3A_164 = tpu.memref_slice %arg4[%add3A, %sub3A_155, %dma_wait3A_162, %dma_wait3A_163] : memref<32x50x512x64xf32, #tpu.memory_space<hbm>> -> memref<1x1x512x64xf32, #tpu.memory_space<hbm>>
      %dma_wait3A_165 = tpu.memref_squeeze %dma_wait3A_164 : memref<1x1x512x64xf32, #tpu.memory_space<hbm>> -> memref<512x64xf32, #tpu.memory_space<hbm>>
      %dma_wait3A_166 = tpu.memref_slice %arg8[%dma_wait3A_157] : memref<2x!tpu.dma_semaphore, #tpu.memory_space<semaphore_mem>> -> memref<1x!tpu.dma_semaphore, #tpu.memory_space<semaphore_mem>>
      %dma_wait3A_167 = tpu.memref_squeeze %dma_wait3A_166 : memref<1x!tpu.dma_semaphore, #tpu.memory_space<semaphore_mem>> -> memref<!tpu.dma_semaphore, #tpu.memory_space<semaphore_mem>>
      %dma_wait3A_168 = arith.constant 0 : i32
      %dma_wait3A_169 = arith.constant 0 : i32
      %dma_wait3A_170 = tpu.memref_slice %arg4[%add3A, %sub3A_155, %dma_wait3A_168, %dma_wait3A_169] : memref<32x50x512x64xf32, #tpu.memory_space<hbm>> -> memref<1x1x512x64xf32, #tpu.memory_space<hbm>>
      %dma_wait3A_171 = tpu.memref_squeeze %dma_wait3A_170 : memref<1x1x512x64xf32, #tpu.memory_space<hbm>> -> memref<512x64xf32, #tpu.memory_space<hbm>>
      %dma_wait3A_172 = arith.constant 0 : i32
      %dma_wait3A_173 = arith.constant 0 : i32
      %dma_wait3A_174 = tpu.memref_slice %arg6[%dma_wait3A_156, %dma_wait3A_172, %dma_wait3A_173] : memref<2x512x64xf32, #tpu.memory_space<vmem>> -> memref<1x512x64xf32, #tpu.memory_space<vmem>>
      %dma_wait3A_175 = tpu.memref_squeeze %dma_wait3A_174 : memref<1x512x64xf32, #tpu.memory_space<vmem>> -> memref<512x64xf32, #tpu.memory_space<vmem>>
      tpu.wait_dma2 semaphore(%dma_wait3A_167 : memref<!tpu.dma_semaphore, #tpu.memory_space<semaphore_mem>>) src(%dma_wait3A_175 : memref<512x64xf32, #tpu.memory_space<vmem>>) dst(%dma_wait3A_171 : memref<512x64xf32, #tpu.memory_space<hbm>>)
      %add3A_176 = arith.constant 1 : i32
      %add3A_177 = arith.addi %add3A_154, %add3A_176 : i32
      %dma_start3A_178 = arith.constant 0 : i32
      %dma_start3A_179 = arith.constant 0 : i32
      %dma_start3A_180 = arith.constant 0 : i32
      %dma_start3A_181 = arith.constant 0 : i32
      %dma_start3A_182 = tpu.memref_slice %arg6[%dma_start3A_178, %dma_start3A_180, %dma_start3A_181] : memref<2x512x64xf32, #tpu.memory_space<vmem>> -> memref<1x512x64xf32, #tpu.memory_space<vmem>>
      %dma_start3A_183 = tpu.memref_squeeze %dma_start3A_182 : memref<1x512x64xf32, #tpu.memory_space<vmem>> -> memref<512x64xf32, #tpu.memory_space<vmem>>
      %dma_start3A_184 = arith.constant 0 : i32
      %dma_start3A_185 = tpu.memref_slice %arg5[%add3A_177, %dma_start3A_184] : memref<50x512xi32, #tpu.memory_space<vmem>> -> memref<1x512xi32, #tpu.memory_space<vmem>>
      %dma_start3A_186 = tpu.memref_squeeze %dma_start3A_185 : memref<1x512xi32, #tpu.memory_space<vmem>> -> memref<512xi32, #tpu.memory_space<vmem>>
      %dma_start3A_187 = arith.constant 0 : i32
      %dma_start3A_188 = arith.constant 0 : i32
      %dma_start3A_189 = tpu.memref_slice %arg3[%dma_start3A_187, %dma_start3A_188] : memref<1000000x64xf32, #tpu.memory_space<hbm>> -> memref<1000000x64xf32, #tpu.memory_space<hbm>>
      %dma_start3A_190 = tpu.memref_slice %arg7[%dma_start3A_179] : memref<2x!tpu.dma_semaphore, #tpu.memory_space<semaphore_mem>> -> memref<1x!tpu.dma_semaphore, #tpu.memory_space<semaphore_mem>>
      %dma_start3A_191 = tpu.memref_squeeze %dma_start3A_190 : memref<1x!tpu.dma_semaphore, #tpu.memory_space<semaphore_mem>> -> memref<!tpu.dma_semaphore, #tpu.memory_space<semaphore_mem>>
      tpu.enqueue_indirect_dma source(%dma_start3A_189 : memref<1000000x64xf32, #tpu.memory_space<hbm>>) target(%dma_start3A_183 : memref<512x64xf32, #tpu.memory_space<vmem>>) offsets(%dma_start3A_186 : memref<512xi32, #tpu.memory_space<vmem>>) semaphore(%dma_start3A_191 : memref<!tpu.dma_semaphore, #tpu.memory_space<semaphore_mem>>)
      %dma_wait3A_192 = arith.constant 1 : i32
      %dma_wait3A_193 = arith.constant 1 : i32
      %dma_wait3A_194 = arith.constant 0 : i32
      %dma_wait3A_195 = arith.constant 0 : i32
      %dma_wait3A_196 = tpu.memref_slice %arg6[%dma_wait3A_192, %dma_wait3A_194, %dma_wait3A_195] : memref<2x512x64xf32, #tpu.memory_space<vmem>> -> memref<1x512x64xf32, #tpu.memory_space<vmem>>
      %dma_wait3A_197 = tpu.memref_squeeze %dma_wait3A_196 : memref<1x512x64xf32, #tpu.memory_space<vmem>> -> memref<512x64xf32, #tpu.memory_space<vmem>>
      %dma_wait3A_198 = arith.constant 0 : i32
      %dma_wait3A_199 = tpu.memref_slice %arg5[%add3A_154, %dma_wait3A_198] : memref<50x512xi32, #tpu.memory_space<vmem>> -> memref<1x512xi32, #tpu.memory_space<vmem>>
      %dma_wait3A_200 = tpu.memref_squeeze %dma_wait3A_199 : memref<1x512xi32, #tpu.memory_space<vmem>> -> memref<512xi32, #tpu.memory_space<vmem>>
      %dma_wait3A_201 = arith.constant 0 : i32
      %dma_wait3A_202 = arith.constant 0 : i32
      %dma_wait3A_203 = tpu.memref_slice %arg3[%dma_wait3A_201, %dma_wait3A_202] : memref<1000000x64xf32, #tpu.memory_space<hbm>> -> memref<1000000x64xf32, #tpu.memory_space<hbm>>
      %dma_wait3A_204 = tpu.memref_slice %arg7[%dma_wait3A_193] : memref<2x!tpu.dma_semaphore, #tpu.memory_space<semaphore_mem>> -> memref<1x!tpu.dma_semaphore, #tpu.memory_space<semaphore_mem>>
      %dma_wait3A_205 = tpu.memref_squeeze %dma_wait3A_204 : memref<1x!tpu.dma_semaphore, #tpu.memory_space<semaphore_mem>> -> memref<!tpu.dma_semaphore, #tpu.memory_space<semaphore_mem>>
      tpu.wait_indirect_dma semaphore(%dma_wait3A_205 : memref<!tpu.dma_semaphore, #tpu.memory_space<semaphore_mem>>) src(%dma_wait3A_203 : memref<1000000x64xf32, #tpu.memory_space<hbm>>) dst(%dma_wait3A_197 : memref<512x64xf32, #tpu.memory_space<vmem>>)
      %dma_start3A_206 = arith.constant 1 : i32
      %dma_start3A_207 = arith.constant 1 : i32
      %dma_start3A_208 = arith.constant 0 : i32
      %dma_start3A_209 = arith.constant 0 : i32
      %dma_start3A_210 = tpu.memref_slice %arg6[%dma_start3A_206, %dma_start3A_208, %dma_start3A_209] : memref<2x512x64xf32, #tpu.memory_space<vmem>> -> memref<1x512x64xf32, #tpu.memory_space<vmem>>
      %dma_start3A_211 = tpu.memref_squeeze %dma_start3A_210 : memref<1x512x64xf32, #tpu.memory_space<vmem>> -> memref<512x64xf32, #tpu.memory_space<vmem>>
      %dma_start3A_212 = arith.constant 0 : i32
      %dma_start3A_213 = arith.constant 0 : i32
      %dma_start3A_214 = tpu.memref_slice %arg4[%add3A, %add3A_154, %dma_start3A_212, %dma_start3A_213] : memref<32x50x512x64xf32, #tpu.memory_space<hbm>> -> memref<1x1x512x64xf32, #tpu.memory_space<hbm>>
      %dma_start3A_215 = tpu.memref_squeeze %dma_start3A_214 : memref<1x1x512x64xf32, #tpu.memory_space<hbm>> -> memref<512x64xf32, #tpu.memory_space<hbm>>
      %dma_start3A_216 = tpu.memref_slice %arg8[%dma_start3A_207] : memref<2x!tpu.dma_semaphore, #tpu.memory_space<semaphore_mem>> -> memref<1x!tpu.dma_semaphore, #tpu.memory_space<semaphore_mem>>
      %dma_start3A_217 = tpu.memref_squeeze %dma_start3A_216 : memref<1x!tpu.dma_semaphore, #tpu.memory_space<semaphore_mem>> -> memref<!tpu.dma_semaphore, #tpu.memory_space<semaphore_mem>>
      %dma_start3A_218 = arith.constant 0 : i32
      %dma_start3A_219 = arith.constant 0 : i32
      %dma_start3A_220 = tpu.memref_slice %arg4[%add3A, %add3A_154, %dma_start3A_218, %dma_start3A_219] : memref<32x50x512x64xf32, #tpu.memory_space<hbm>> -> memref<1x1x512x64xf32, #tpu.memory_space<hbm>>
      %dma_start3A_221 = tpu.memref_squeeze %dma_start3A_220 : memref<1x1x512x64xf32, #tpu.memory_space<hbm>> -> memref<512x64xf32, #tpu.memory_space<hbm>>
      %dma_start3A_222 = arith.constant 0 : i32
      %dma_start3A_223 = arith.constant 0 : i32
      %dma_start3A_224 = tpu.memref_slice %arg6[%dma_start3A_206, %dma_start3A_222, %dma_start3A_223] : memref<2x512x64xf32, #tpu.memory_space<vmem>> -> memref<1x512x64xf32, #tpu.memory_space<vmem>>
      %dma_start3A_225 = tpu.memref_squeeze %dma_start3A_224 : memref<1x512x64xf32, #tpu.memory_space<vmem>> -> memref<512x64xf32, #tpu.memory_space<vmem>>
      tpu.enqueue_dma source(%dma_start3A_225 : memref<512x64xf32, #tpu.memory_space<vmem>>) target(%dma_start3A_221 : memref<512x64xf32, #tpu.memory_space<hbm>>) target_semaphore(%dma_start3A_217 : memref<!tpu.dma_semaphore, #tpu.memory_space<semaphore_mem>>)
      %mul3A_226 = arith.constant 2 : i32
      %mul3A_227 = arith.muli %scan3A_148, %mul3A_226 : i32
      %add3A_228 = arith.constant 1 : i32
      %add3A_229 = arith.addi %add3A_228, %mul3A_227 : i32
      %add3A_230 = arith.constant 1 : i32
      %add3A_231 = arith.addi %add3A_229, %add3A_230 : i32
      %sub3A_232 = arith.constant 1 : i32
      %sub3A_233 = arith.subi %add3A_231, %sub3A_232 : i32
      %dma_wait3A_234 = arith.constant 1 : i32
      %dma_wait3A_235 = arith.constant 1 : i32
      %dma_wait3A_236 = arith.constant 0 : i32
      %dma_wait3A_237 = arith.constant 0 : i32
      %dma_wait3A_238 = tpu.memref_slice %arg6[%dma_wait3A_234, %dma_wait3A_236, %dma_wait3A_237] : memref<2x512x64xf32, #tpu.memory_space<vmem>> -> memref<1x512x64xf32, #tpu.memory_space<vmem>>
      %dma_wait3A_239 = tpu.memref_squeeze %dma_wait3A_238 : memref<1x512x64xf32, #tpu.memory_space<vmem>> -> memref<512x64xf32, #tpu.memory_space<vmem>>
      %dma_wait3A_240 = arith.constant 0 : i32
      %dma_wait3A_241 = arith.constant 0 : i32
      %dma_wait3A_242 = tpu.memref_slice %arg4[%add3A, %sub3A_233, %dma_wait3A_240, %dma_wait3A_241] : memref<32x50x512x64xf32, #tpu.memory_space<hbm>> -> memref<1x1x512x64xf32, #tpu.memory_space<hbm>>
      %dma_wait3A_243 = tpu.memref_squeeze %dma_wait3A_242 : memref<1x1x512x64xf32, #tpu.memory_space<hbm>> -> memref<512x64xf32, #tpu.memory_space<hbm>>
      %dma_wait3A_244 = tpu.memref_slice %arg8[%dma_wait3A_235] : memref<2x!tpu.dma_semaphore, #tpu.memory_space<semaphore_mem>> -> memref<1x!tpu.dma_semaphore, #tpu.memory_space<semaphore_mem>>
      %dma_wait3A_245 = tpu.memref_squeeze %dma_wait3A_244 : memref<1x!tpu.dma_semaphore, #tpu.memory_space<semaphore_mem>> -> memref<!tpu.dma_semaphore, #tpu.memory_space<semaphore_mem>>
      %dma_wait3A_246 = arith.constant 0 : i32
      %dma_wait3A_247 = arith.constant 0 : i32
      %dma_wait3A_248 = tpu.memref_slice %arg4[%add3A, %sub3A_233, %dma_wait3A_246, %dma_wait3A_247] : memref<32x50x512x64xf32, #tpu.memory_space<hbm>> -> memref<1x1x512x64xf32, #tpu.memory_space<hbm>>
      %dma_wait3A_249 = tpu.memref_squeeze %dma_wait3A_248 : memref<1x1x512x64xf32, #tpu.memory_space<hbm>> -> memref<512x64xf32, #tpu.memory_space<hbm>>
      %dma_wait3A_250 = arith.constant 0 : i32
      %dma_wait3A_251 = arith.constant 0 : i32
      %dma_wait3A_252 = tpu.memref_slice %arg6[%dma_wait3A_234, %dma_wait3A_250, %dma_wait3A_251] : memref<2x512x64xf32, #tpu.memory_space<vmem>> -> memref<1x512x64xf32, #tpu.memory_space<vmem>>
      %dma_wait3A_253 = tpu.memref_squeeze %dma_wait3A_252 : memref<1x512x64xf32, #tpu.memory_space<vmem>> -> memref<512x64xf32, #tpu.memory_space<vmem>>
      tpu.wait_dma2 semaphore(%dma_wait3A_245 : memref<!tpu.dma_semaphore, #tpu.memory_space<semaphore_mem>>) src(%dma_wait3A_253 : memref<512x64xf32, #tpu.memory_space<vmem>>) dst(%dma_wait3A_249 : memref<512x64xf32, #tpu.memory_space<hbm>>)
      %add3A_254 = arith.constant 1 : i32
      %add3A_255 = arith.addi %add3A_231, %add3A_254 : i32
      %dma_start3A_256 = arith.constant 1 : i32
      %dma_start3A_257 = arith.constant 1 : i32
      %dma_start3A_258 = arith.constant 0 : i32
      %dma_start3A_259 = arith.constant 0 : i32
      %dma_start3A_260 = tpu.memref_slice %arg6[%dma_start3A_256, %dma_start3A_258, %dma_start3A_259] : memref<2x512x64xf32, #tpu.memory_space<vmem>> -> memref<1x512x64xf32, #tpu.memory_space<vmem>>
      %dma_start3A_261 = tpu.memref_squeeze %dma_start3A_260 : memref<1x512x64xf32, #tpu.memory_space<vmem>> -> memref<512x64xf32, #tpu.memory_space<vmem>>
      %dma_start3A_262 = arith.constant 0 : i32
      %dma_start3A_263 = tpu.memref_slice %arg5[%add3A_255, %dma_start3A_262] : memref<50x512xi32, #tpu.memory_space<vmem>> -> memref<1x512xi32, #tpu.memory_space<vmem>>
      %dma_start3A_264 = tpu.memref_squeeze %dma_start3A_263 : memref<1x512xi32, #tpu.memory_space<vmem>> -> memref<512xi32, #tpu.memory_space<vmem>>
      %dma_start3A_265 = arith.constant 0 : i32
      %dma_start3A_266 = arith.constant 0 : i32
      %dma_start3A_267 = tpu.memref_slice %arg3[%dma_start3A_265, %dma_start3A_266] : memref<1000000x64xf32, #tpu.memory_space<hbm>> -> memref<1000000x64xf32, #tpu.memory_space<hbm>>
      %dma_start3A_268 = tpu.memref_slice %arg7[%dma_start3A_257] : memref<2x!tpu.dma_semaphore, #tpu.memory_space<semaphore_mem>> -> memref<1x!tpu.dma_semaphore, #tpu.memory_space<semaphore_mem>>
      %dma_start3A_269 = tpu.memref_squeeze %dma_start3A_268 : memref<1x!tpu.dma_semaphore, #tpu.memory_space<semaphore_mem>> -> memref<!tpu.dma_semaphore, #tpu.memory_space<semaphore_mem>>
      tpu.enqueue_indirect_dma source(%dma_start3A_267 : memref<1000000x64xf32, #tpu.memory_space<hbm>>) target(%dma_start3A_261 : memref<512x64xf32, #tpu.memory_space<vmem>>) offsets(%dma_start3A_264 : memref<512xi32, #tpu.memory_space<vmem>>) semaphore(%dma_start3A_269 : memref<!tpu.dma_semaphore, #tpu.memory_space<semaphore_mem>>)
      %dma_wait3A_270 = arith.constant 0 : i32
      %dma_wait3A_271 = arith.constant 0 : i32
      %dma_wait3A_272 = arith.constant 0 : i32
      %dma_wait3A_273 = arith.constant 0 : i32
      %dma_wait3A_274 = tpu.memref_slice %arg6[%dma_wait3A_270, %dma_wait3A_272, %dma_wait3A_273] : memref<2x512x64xf32, #tpu.memory_space<vmem>> -> memref<1x512x64xf32, #tpu.memory_space<vmem>>
      %dma_wait3A_275 = tpu.memref_squeeze %dma_wait3A_274 : memref<1x512x64xf32, #tpu.memory_space<vmem>> -> memref<512x64xf32, #tpu.memory_space<vmem>>
      %dma_wait3A_276 = arith.constant 0 : i32
      %dma_wait3A_277 = tpu.memref_slice %arg5[%add3A_231, %dma_wait3A_276] : memref<50x512xi32, #tpu.memory_space<vmem>> -> memref<1x512xi32, #tpu.memory_space<vmem>>
      %dma_wait3A_278 = tpu.memref_squeeze %dma_wait3A_277 : memref<1x512xi32, #tpu.memory_space<vmem>> -> memref<512xi32, #tpu.memory_space<vmem>>
      %dma_wait3A_279 = arith.constant 0 : i32
      %dma_wait3A_280 = arith.constant 0 : i32
      %dma_wait3A_281 = tpu.memref_slice %arg3[%dma_wait3A_279, %dma_wait3A_280] : memref<1000000x64xf32, #tpu.memory_space<hbm>> -> memref<1000000x64xf32, #tpu.memory_space<hbm>>
      %dma_wait3A_282 = tpu.memref_slice %arg7[%dma_wait3A_271] : memref<2x!tpu.dma_semaphore, #tpu.memory_space<semaphore_mem>> -> memref<1x!tpu.dma_semaphore, #tpu.memory_space<semaphore_mem>>
      %dma_wait3A_283 = tpu.memref_squeeze %dma_wait3A_282 : memref<1x!tpu.dma_semaphore, #tpu.memory_space<semaphore_mem>> -> memref<!tpu.dma_semaphore, #tpu.memory_space<semaphore_mem>>
      tpu.wait_indirect_dma semaphore(%dma_wait3A_283 : memref<!tpu.dma_semaphore, #tpu.memory_space<semaphore_mem>>) src(%dma_wait3A_281 : memref<1000000x64xf32, #tpu.memory_space<hbm>>) dst(%dma_wait3A_275 : memref<512x64xf32, #tpu.memory_space<vmem>>)
      %dma_start3A_284 = arith.constant 0 : i32
      %dma_start3A_285 = arith.constant 0 : i32
      %dma_start3A_286 = arith.constant 0 : i32
      %dma_start3A_287 = arith.constant 0 : i32
      %dma_start3A_288 = tpu.memref_slice %arg6[%dma_start3A_284, %dma_start3A_286, %dma_start3A_287] : memref<2x512x64xf32, #tpu.memory_space<vmem>> -> memref<1x512x64xf32, #tpu.memory_space<vmem>>
      %dma_start3A_289 = tpu.memref_squeeze %dma_start3A_288 : memref<1x512x64xf32, #tpu.memory_space<vmem>> -> memref<512x64xf32, #tpu.memory_space<vmem>>
      %dma_start3A_290 = arith.constant 0 : i32
      %dma_start3A_291 = arith.constant 0 : i32
      %dma_start3A_292 = tpu.memref_slice %arg4[%add3A, %add3A_231, %dma_start3A_290, %dma_start3A_291] : memref<32x50x512x64xf32, #tpu.memory_space<hbm>> -> memref<1x1x512x64xf32, #tpu.memory_space<hbm>>
      %dma_start3A_293 = tpu.memref_squeeze %dma_start3A_292 : memref<1x1x512x64xf32, #tpu.memory_space<hbm>> -> memref<512x64xf32, #tpu.memory_space<hbm>>
      %dma_start3A_294 = tpu.memref_slice %arg8[%dma_start3A_285] : memref<2x!tpu.dma_semaphore, #tpu.memory_space<semaphore_mem>> -> memref<1x!tpu.dma_semaphore, #tpu.memory_space<semaphore_mem>>
      %dma_start3A_295 = tpu.memref_squeeze %dma_start3A_294 : memref<1x!tpu.dma_semaphore, #tpu.memory_space<semaphore_mem>> -> memref<!tpu.dma_semaphore, #tpu.memory_space<semaphore_mem>>
      %dma_start3A_296 = arith.constant 0 : i32
      %dma_start3A_297 = arith.constant 0 : i32
      %dma_start3A_298 = tpu.memref_slice %arg4[%add3A, %add3A_231, %dma_start3A_296, %dma_start3A_297] : memref<32x50x512x64xf32, #tpu.memory_space<hbm>> -> memref<1x1x512x64xf32, #tpu.memory_space<hbm>>
      %dma_start3A_299 = tpu.memref_squeeze %dma_start3A_298 : memref<1x1x512x64xf32, #tpu.memory_space<hbm>> -> memref<512x64xf32, #tpu.memory_space<hbm>>
      %dma_start3A_300 = arith.constant 0 : i32
      %dma_start3A_301 = arith.constant 0 : i32
      %dma_start3A_302 = tpu.memref_slice %arg6[%dma_start3A_284, %dma_start3A_300, %dma_start3A_301] : memref<2x512x64xf32, #tpu.memory_space<vmem>> -> memref<1x512x64xf32, #tpu.memory_space<vmem>>
      %dma_start3A_303 = tpu.memref_squeeze %dma_start3A_302 : memref<1x512x64xf32, #tpu.memory_space<vmem>> -> memref<512x64xf32, #tpu.memory_space<vmem>>
      tpu.enqueue_dma source(%dma_start3A_303 : memref<512x64xf32, #tpu.memory_space<vmem>>) target(%dma_start3A_299 : memref<512x64xf32, #tpu.memory_space<hbm>>) target_semaphore(%dma_start3A_295 : memref<!tpu.dma_semaphore, #tpu.memory_space<semaphore_mem>>)
    }
    %scan3A_69 = arith.constant 24 : i32
    %dma_wait3A_70 = arith.constant 49 : i32
    %dma_wait3A_71 = arith.constant 1 : i32
    %dma_wait3A_72 = arith.constant 1 : i32
    %dma_wait3A_73 = arith.constant 0 : i32
    %dma_wait3A_74 = arith.constant 0 : i32
    %dma_wait3A_75 = tpu.memref_slice %arg6[%dma_wait3A_71, %dma_wait3A_73, %dma_wait3A_74] : memref<2x512x64xf32, #tpu.memory_space<vmem>> -> memref<1x512x64xf32, #tpu.memory_space<vmem>>
    %dma_wait3A_76 = tpu.memref_squeeze %dma_wait3A_75 : memref<1x512x64xf32, #tpu.memory_space<vmem>> -> memref<512x64xf32, #tpu.memory_space<vmem>>
    %dma_wait3A_77 = arith.constant 0 : i32
    %dma_wait3A_78 = tpu.memref_slice %arg5[%dma_wait3A_70, %dma_wait3A_77] : memref<50x512xi32, #tpu.memory_space<vmem>> -> memref<1x512xi32, #tpu.memory_space<vmem>>
    %dma_wait3A_79 = tpu.memref_squeeze %dma_wait3A_78 : memref<1x512xi32, #tpu.memory_space<vmem>> -> memref<512xi32, #tpu.memory_space<vmem>>
    %dma_wait3A_80 = arith.constant 0 : i32
    %dma_wait3A_81 = arith.constant 0 : i32
    %dma_wait3A_82 = tpu.memref_slice %arg3[%dma_wait3A_80, %dma_wait3A_81] : memref<1000000x64xf32, #tpu.memory_space<hbm>> -> memref<1000000x64xf32, #tpu.memory_space<hbm>>
    %dma_wait3A_83 = tpu.memref_slice %arg7[%dma_wait3A_72] : memref<2x!tpu.dma_semaphore, #tpu.memory_space<semaphore_mem>> -> memref<1x!tpu.dma_semaphore, #tpu.memory_space<semaphore_mem>>
    %dma_wait3A_84 = tpu.memref_squeeze %dma_wait3A_83 : memref<1x!tpu.dma_semaphore, #tpu.memory_space<semaphore_mem>> -> memref<!tpu.dma_semaphore, #tpu.memory_space<semaphore_mem>>
    tpu.wait_indirect_dma semaphore(%dma_wait3A_84 : memref<!tpu.dma_semaphore, #tpu.memory_space<semaphore_mem>>) src(%dma_wait3A_82 : memref<1000000x64xf32, #tpu.memory_space<hbm>>) dst(%dma_wait3A_76 : memref<512x64xf32, #tpu.memory_space<vmem>>)
    %dma_start3A_85 = arith.constant 1 : i32
    %dma_start3A_86 = arith.constant 49 : i32
    %dma_start3A_87 = arith.constant 1 : i32
    %dma_start3A_88 = arith.constant 0 : i32
    %dma_start3A_89 = arith.constant 0 : i32
    %dma_start3A_90 = tpu.memref_slice %arg6[%dma_start3A_85, %dma_start3A_88, %dma_start3A_89] : memref<2x512x64xf32, #tpu.memory_space<vmem>> -> memref<1x512x64xf32, #tpu.memory_space<vmem>>
    %dma_start3A_91 = tpu.memref_squeeze %dma_start3A_90 : memref<1x512x64xf32, #tpu.memory_space<vmem>> -> memref<512x64xf32, #tpu.memory_space<vmem>>
    %dma_start3A_92 = arith.constant 0 : i32
    %dma_start3A_93 = arith.constant 0 : i32
    %dma_start3A_94 = tpu.memref_slice %arg4[%add3A, %dma_start3A_86, %dma_start3A_92, %dma_start3A_93] : memref<32x50x512x64xf32, #tpu.memory_space<hbm>> -> memref<1x1x512x64xf32, #tpu.memory_space<hbm>>
    %dma_start3A_95 = tpu.memref_squeeze %dma_start3A_94 : memref<1x1x512x64xf32, #tpu.memory_space<hbm>> -> memref<512x64xf32, #tpu.memory_space<hbm>>
    %dma_start3A_96 = tpu.memref_slice %arg8[%dma_start3A_87] : memref<2x!tpu.dma_semaphore, #tpu.memory_space<semaphore_mem>> -> memref<1x!tpu.dma_semaphore, #tpu.memory_space<semaphore_mem>>
    %dma_start3A_97 = tpu.memref_squeeze %dma_start3A_96 : memref<1x!tpu.dma_semaphore, #tpu.memory_space<semaphore_mem>> -> memref<!tpu.dma_semaphore, #tpu.memory_space<semaphore_mem>>
    %dma_start3A_98 = arith.constant 0 : i32
    %dma_start3A_99 = arith.constant 0 : i32
    %dma_start3A_100 = tpu.memref_slice %arg4[%add3A, %dma_start3A_86, %dma_start3A_98, %dma_start3A_99] : memref<32x50x512x64xf32, #tpu.memory_space<hbm>> -> memref<1x1x512x64xf32, #tpu.memory_space<hbm>>
    %dma_start3A_101 = tpu.memref_squeeze %dma_start3A_100 : memref<1x1x512x64xf32, #tpu.memory_space<hbm>> -> memref<512x64xf32, #tpu.memory_space<hbm>>
    %dma_start3A_102 = arith.constant 0 : i32
    %dma_start3A_103 = arith.constant 0 : i32
    %dma_start3A_104 = tpu.memref_slice %arg6[%dma_start3A_85, %dma_start3A_102, %dma_start3A_103] : memref<2x512x64xf32, #tpu.memory_space<vmem>> -> memref<1x512x64xf32, #tpu.memory_space<vmem>>
    %dma_start3A_105 = tpu.memref_squeeze %dma_start3A_104 : memref<1x512x64xf32, #tpu.memory_space<vmem>> -> memref<512x64xf32, #tpu.memory_space<vmem>>
    tpu.enqueue_dma source(%dma_start3A_105 : memref<512x64xf32, #tpu.memory_space<vmem>>) target(%dma_start3A_101 : memref<512x64xf32, #tpu.memory_space<hbm>>) target_semaphore(%dma_start3A_97 : memref<!tpu.dma_semaphore, #tpu.memory_space<semaphore_mem>>)
    %dma_wait3A_106 = arith.constant 0 : i32
    %dma_wait3A_107 = arith.constant 48 : i32
    %dma_wait3A_108 = arith.constant 0 : i32
    %dma_wait3A_109 = arith.constant 0 : i32
    %dma_wait3A_110 = arith.constant 0 : i32
    %dma_wait3A_111 = tpu.memref_slice %arg6[%dma_wait3A_106, %dma_wait3A_109, %dma_wait3A_110] : memref<2x512x64xf32, #tpu.memory_space<vmem>> -> memref<1x512x64xf32, #tpu.memory_space<vmem>>
    %dma_wait3A_112 = tpu.memref_squeeze %dma_wait3A_111 : memref<1x512x64xf32, #tpu.memory_space<vmem>> -> memref<512x64xf32, #tpu.memory_space<vmem>>
    %dma_wait3A_113 = arith.constant 0 : i32
    %dma_wait3A_114 = arith.constant 0 : i32
    %dma_wait3A_115 = tpu.memref_slice %arg4[%add3A, %dma_wait3A_107, %dma_wait3A_113, %dma_wait3A_114] : memref<32x50x512x64xf32, #tpu.memory_space<hbm>> -> memref<1x1x512x64xf32, #tpu.memory_space<hbm>>
    %dma_wait3A_116 = tpu.memref_squeeze %dma_wait3A_115 : memref<1x1x512x64xf32, #tpu.memory_space<hbm>> -> memref<512x64xf32, #tpu.memory_space<hbm>>
    %dma_wait3A_117 = tpu.memref_slice %arg8[%dma_wait3A_108] : memref<2x!tpu.dma_semaphore, #tpu.memory_space<semaphore_mem>> -> memref<1x!tpu.dma_semaphore, #tpu.memory_space<semaphore_mem>>
    %dma_wait3A_118 = tpu.memref_squeeze %dma_wait3A_117 : memref<1x!tpu.dma_semaphore, #tpu.memory_space<semaphore_mem>> -> memref<!tpu.dma_semaphore, #tpu.memory_space<semaphore_mem>>
    %dma_wait3A_119 = arith.constant 0 : i32
    %dma_wait3A_120 = arith.constant 0 : i32
    %dma_wait3A_121 = tpu.memref_slice %arg4[%add3A, %dma_wait3A_107, %dma_wait3A_119, %dma_wait3A_120] : memref<32x50x512x64xf32, #tpu.memory_space<hbm>> -> memref<1x1x512x64xf32, #tpu.memory_space<hbm>>
    %dma_wait3A_122 = tpu.memref_squeeze %dma_wait3A_121 : memref<1x1x512x64xf32, #tpu.memory_space<hbm>> -> memref<512x64xf32, #tpu.memory_space<hbm>>
    %dma_wait3A_123 = arith.constant 0 : i32
    %dma_wait3A_124 = arith.constant 0 : i32
    %dma_wait3A_125 = tpu.memref_slice %arg6[%dma_wait3A_106, %dma_wait3A_123, %dma_wait3A_124] : memref<2x512x64xf32, #tpu.memory_space<vmem>> -> memref<1x512x64xf32, #tpu.memory_space<vmem>>
    %dma_wait3A_126 = tpu.memref_squeeze %dma_wait3A_125 : memref<1x512x64xf32, #tpu.memory_space<vmem>> -> memref<512x64xf32, #tpu.memory_space<vmem>>
    tpu.wait_dma2 semaphore(%dma_wait3A_118 : memref<!tpu.dma_semaphore, #tpu.memory_space<semaphore_mem>>) src(%dma_wait3A_126 : memref<512x64xf32, #tpu.memory_space<vmem>>) dst(%dma_wait3A_122 : memref<512x64xf32, #tpu.memory_space<hbm>>)
    %dma_wait3A_127 = arith.constant 1 : i32
    %dma_wait3A_128 = arith.constant 49 : i32
    %dma_wait3A_129 = arith.constant 1 : i32
    %dma_wait3A_130 = arith.constant 0 : i32
    %dma_wait3A_131 = arith.constant 0 : i32
    %dma_wait3A_132 = tpu.memref_slice %arg6[%dma_wait3A_127, %dma_wait3A_130, %dma_wait3A_131] : memref<2x512x64xf32, #tpu.memory_space<vmem>> -> memref<1x512x64xf32, #tpu.memory_space<vmem>>
    %dma_wait3A_133 = tpu.memref_squeeze %dma_wait3A_132 : memref<1x512x64xf32, #tpu.memory_space<vmem>> -> memref<512x64xf32, #tpu.memory_space<vmem>>
    %dma_wait3A_134 = arith.constant 0 : i32
    %dma_wait3A_135 = arith.constant 0 : i32
    %dma_wait3A_136 = tpu.memref_slice %arg4[%add3A, %dma_wait3A_128, %dma_wait3A_134, %dma_wait3A_135] : memref<32x50x512x64xf32, #tpu.memory_space<hbm>> -> memref<1x1x512x64xf32, #tpu.memory_space<hbm>>
    %dma_wait3A_137 = tpu.memref_squeeze %dma_wait3A_136 : memref<1x1x512x64xf32, #tpu.memory_space<hbm>> -> memref<512x64xf32, #tpu.memory_space<hbm>>
    %dma_wait3A_138 = tpu.memref_slice %arg8[%dma_wait3A_129] : memref<2x!tpu.dma_semaphore, #tpu.memory_space<semaphore_mem>> -> memref<1x!tpu.dma_semaphore, #tpu.memory_space<semaphore_mem>>
    %dma_wait3A_139 = tpu.memref_squeeze %dma_wait3A_138 : memref<1x!tpu.dma_semaphore, #tpu.memory_space<semaphore_mem>> -> memref<!tpu.dma_semaphore, #tpu.memory_space<semaphore_mem>>
    %dma_wait3A_140 = arith.constant 0 : i32
    %dma_wait3A_141 = arith.constant 0 : i32
    %dma_wait3A_142 = tpu.memref_slice %arg4[%add3A, %dma_wait3A_128, %dma_wait3A_140, %dma_wait3A_141] : memref<32x50x512x64xf32, #tpu.memory_space<hbm>> -> memref<1x1x512x64xf32, #tpu.memory_space<hbm>>
    %dma_wait3A_143 = tpu.memref_squeeze %dma_wait3A_142 : memref<1x1x512x64xf32, #tpu.memory_space<hbm>> -> memref<512x64xf32, #tpu.memory_space<hbm>>
    %dma_wait3A_144 = arith.constant 0 : i32
    %dma_wait3A_145 = arith.constant 0 : i32
    %dma_wait3A_146 = tpu.memref_slice %arg6[%dma_wait3A_127, %dma_wait3A_144, %dma_wait3A_145] : memref<2x512x64xf32, #tpu.memory_space<vmem>> -> memref<1x512x64xf32, #tpu.memory_space<vmem>>
    %dma_wait3A_147 = tpu.memref_squeeze %dma_wait3A_146 : memref<1x512x64xf32, #tpu.memory_space<vmem>> -> memref<512x64xf32, #tpu.memory_space<vmem>>
    tpu.wait_dma2 semaphore(%dma_wait3A_139 : memref<!tpu.dma_semaphore, #tpu.memory_space<semaphore_mem>>) src(%dma_wait3A_147 : memref<512x64xf32, #tpu.memory_space<vmem>>) dst(%dma_wait3A_143 : memref<512x64xf32, #tpu.memory_space<hbm>>)
    return
  }
}

</mosaic_0001>

<sc_bundles>
// kernel: kernel.3.cloned.1.call-start
scs
__scs_entry_jumppad:
0x0: {  	(pc) =	sbr.rel $0x88, $3  }
0x1: {  	(tag) =	ssettag $0x0;
	lr =	simm.s32 $0x1  }
0x2: {  	[smem:$0x3F9F] =	sst lr;
	_ =	strace $0xD0000000  }
0x3: {  	_ = 	snop  }
0x4: {  	_ = 	snop  }
0x5: {  	_ = 	snop  }
0x6: {  	_ = 	snop  }
0x7: {  	_ = 	snop  }
__scs_overlays_trampoline_lowered:
0x8: {  	[smem:$0x3FAE] =	sst s0  }
0x9: {  	[smem:$0x3FAF] =	sst s1  }
0xa: {  	[smem:$0x3FB0] =	sst s2  }
0xb: {  	[smem:$0x3FB1] =	sst s3  }
0xc: {  	[smem:$0x3FB2] =	sst s4  }
0xd: {  	[smem:$0x3FB3] =	sst s5  }
0xe: {  	[smem:$0x3FB4] =	sst s6  }
0xf: {  	[smem:$0x3FB5] =	sst s7  }
0x10: {  	[smem:$0x3FB6] =	sst s8  }
0x11: {  	[smem:$0x3FB7] =	sst s9;
	s0 =	simm.s32 @!p0 $0x0  }
0x12: {  	s1 =	sld [smem:$0x3F9D];
	s0 =	simm.s32 @p0 $0x1  }
0x13: {  	[smem:$0x3FB8] =	sst s0;
	s0 =	simm.s32 @!p1 $0x0  }
0x14: {  	s2 =	sld [smem:$0x3F9C];
	s0 =	simm.s32 @p1 $0x1  }
0x15: {  	[smem:$0x3FB9] =	sst s0;
	s0 =	simm.s32 @!p2 $0x0  }
0x16: {  	s3 =	sld [smem:$0x3FDB];
	s0 =	simm.s32 @p2 $0x1  }
0x17: {  	s4 =	simm.s32 $0x1BF5;
	[smem:$0x3FBB] =	sst s0  }
0x18: {  	s0 =	sld [smem:$0x3F9E];
	_ =	swait.ge [sflag:s4], $0x0  }
0x19: {  	s7 =	sld [smem:$0x3F9F]  }
0x1a: {  	s8 =	sadd.s32 $0xFFFFE003, lr  }
0x1b: {  	s9 =	sadd.s32 $0xFFFFFEF7, lr;
	s5 =	simm.s32 $0xFFFFFFFF;
	p2 =	slt.u32 s8, $0xFFFFF086  }
0x1c: {  	p1 =	slt.u32 s9, $0xF7A;
	s5 =	simm.s32 @!p2 $0x0  }
0x1d: {  	s5 =	simm.s32 @p1 $0x1;
	p0 =	seq.s32 s7, s2  }
0x1e: {  	s7 =	smul.u32 @!p0 $0xF7A, s2;
	p2 =	seq.s32 @!p0 s5, $0x0  }
0x1f: {  	s9 =	smul.u32 $0xF7A, s1;
	s8 =	simm.s32 @!p0 $0x1BF5;
	p2 =	por !p2, p0  }
0x20: {  	[sflag:s8] =	ssyncset.s32 @!p0 $0xFFFFF086;
	s6 =	sadd.s32 @!p0 s3, s7;
	s7 =	simm.s32 @!p0 $0x108  }
0x21: {  	s3 =	sadd.s32 s3, s9;
	s6 =	sadd.s32 @!p0 $0x88, s6;
	s7 =	simm.s32 @p2 $0x1082  }
0x22: {  	[simem:s7], [sflag:s8] =	dma.local @!p0 [hbm:s6], $0xF7A  }
0x23: {  	s9 =	sor.u32 $0xD0000000, s2;
	s6 =	simm.s32 $0x108;
	_ =	swait.ge @!p0 [sflag:s8], $0x0  }
0x24: {  	s3 =	sadd.s32 $0x88, s3;
	s6 =	simm.s32 @!p1 $0x1082;
	[sflag:s4] =	ssyncset.s32 $0xFFFFF086  }
0x25: {  	[simem:s6], [sflag:s4] =	dma.local [hbm:s3], $0xF7A  }
0x26: {  	[smem:$0x3F9F] =	sst s1;
	(tag) =	ssettag s2;
	_ =	strace s9  }
0x27: {  	s1 =	sld [smem:$0x3FAF]  }
0x28: {  	s2 =	sld [smem:$0x3FB0]  }
0x29: {  	s4 =	sld [smem:$0x3FB2]  }
0x2a: {  	p0 =	seq.s32 s5, $0x0;
	s5 =	sld [smem:$0x3FB3]  }
0x2b: {  	s6 =	sld [smem:$0x3FB4]  }
0x2c: {  	s7 =	sld [smem:$0x3FB5]  }
0x2d: {  	s3 =	simm.s32 $0x108;
	s8 =	sld [smem:$0x3FB6]  }
0x2e: {  	s3 =	simm.s32 @!p0 $0x1082;
	s9 =	sld [smem:$0x3FB7]  }
0x2f: {  	lr =	sadd.s32 s0, s3;
	s0 =	sld [smem:$0x3FAE]  }
0x30: {  	s3 =	sld [smem:$0x3FB1]  }
0x31: {  	[smem:$0x3FBA] =	sst s10  }
0x32: {  	s10 =	sld [smem:$0x3FB8];
	_ =	sdelay $0x3  }
0x33: {  	p0 =	seq.s32 s10, $0x1;
	s10 =	sld [smem:$0x3FBA];
	_ =	sdelay $0x3  }
0x34: {  	[smem:$0x3FBA] =	sst s10  }
0x35: {  	s10 =	sld [smem:$0x3FB9];
	_ =	sdelay $0x3  }
0x36: {  	p1 =	seq.s32 s10, $0x1;
	s10 =	sld [smem:$0x3FBA];
	_ =	sdelay $0x3  }
0x37: {  	[smem:$0x3FBA] =	sst s10  }
0x38: {  	s10 =	sld [smem:$0x3FBB]  }
0x39: {  	_ = 	snop;
	(pc) =	sbr.ind lr, $3  }
0x3a: {  	_ = 	snop  }
0x3b: {  	_ = 	snop  }
0x3c: {  	p2 =	seq.s32 s10, $0x1;
	s10 =	sld [smem:$0x3FBA]  }
0x3d: {  	_ =	shalt  }
0x3e: {  	_ =	shalt  }
0x3f: {  	_ =	shalt  }
0x40: {  	_ =	shalt  }
0x41: {  	_ =	shalt  }
0x42: {  	_ =	shalt  }
0x43: {  	_ =	shalt  }
0x44: {  	_ =	shalt  }
0x45: {  	_ =	shalt  }
0x46: {  	_ =	shalt  }
0x47: {  	_ =	shalt  }
0x48: {  	_ =	shalt  }
0x49: {  	_ =	shalt  }
0x4a: {  	_ =	shalt  }
0x4b: {  	_ =	shalt  }
0x4c: {  	_ =	shalt  }
0x4d: {  	_ =	shalt  }
0x4e: {  	_ =	shalt  }
0x4f: {  	_ =	shalt  }
0x50: {  	_ =	shalt  }
0x51: {  	_ =	shalt  }
0x52: {  	_ =	shalt  }
0x53: {  	_ =	shalt  }
0x54: {  	_ =	shalt  }
0x55: {  	_ =	shalt  }
0x56: {  	_ =	shalt  }
0x57: {  	_ =	shalt  }
0x58: {  	_ =	shalt  }
0x59: {  	_ =	shalt  }
0x5a: {  	_ =	shalt  }
0x5b: {  	_ =	shalt  }
0x5c: {  	_ =	shalt  }
0x5d: {  	_ =	shalt  }
0x5e: {  	_ =	shalt  }
0x5f: {  	_ =	shalt  }
0x60: {  	_ =	shalt  }
0x61: {  	_ =	shalt  }
0x62: {  	_ =	shalt  }
0x63: {  	_ =	shalt  }
0x64: {  	_ =	shalt  }
0x65: {  	_ =	shalt  }
0x66: {  	_ =	shalt  }
0x67: {  	_ =	shalt  }
0x68: {  	_ =	shalt  }
0x69: {  	_ =	shalt  }
0x6a: {  	_ =	shalt  }
0x6b: {  	_ =	shalt  }
0x6c: {  	_ =	shalt  }
0x6d: {  	_ =	shalt  }
0x6e: {  	_ =	shalt  }
0x6f: {  	_ =	shalt  }
0x70: {  	_ =	shalt  }
0x71: {  	_ =	shalt  }
0x72: {  	_ =	shalt  }
0x73: {  	_ =	shalt  }
0x74: {  	_ =	shalt  }
0x75: {  	_ =	shalt  }
0x76: {  	_ =	shalt  }
0x77: {  	_ =	shalt  }
0x78: {  	_ =	shalt  }
0x79: {  	_ =	shalt  }
0x7a: {  	_ =	shalt  }
0x7b: {  	_ =	shalt  }
0x7c: {  	_ =	shalt  }
0x7d: {  	_ =	shalt  }
0x7e: {  	_ =	shalt  }
0x7f: {  	_ =	shalt  }
0x80: {  	_ =	shalt  }
0x81: {  	_ =	shalt  }
0x82: {  	_ =	shalt  }
0x83: {  	_ =	shalt  }
0x84: {  	_ =	shalt  }
0x85: {  	_ =	shalt  }
0x86: {  	_ =	shalt  }
0x87: {  	_ =	shalt  }
.Lfunc_end0:
.L_simem_size_0:
called_computation.1_lowered:
.L_overlay_start_0:
0x88: {  	s2 =	sld [smem:$0x3FD9]  }
0x89: {  	s3 =	sld [smem:$0x3FFE];
	_ =	sdelay $0x1  }
0x8a: {  	s1 =	srdreg.scid  }
0x8b: {  	s0 =	sand.u32 $0x1, s1  }
0x8c: {  	s17 =	sshll.u32 s0, $0xA;
	s2 =	sadd.s32 s3, s2  }
0x8d: {  	s2 =	sadd.s32 s2, s17  }
0x8e: {  	[smem:$0x3FC6] =	sst s2  }
0x8f: {  	_ = 	snop  }
0x90: {  	s2 =	sld [smem:$0x3FD0];
	(tm) =	ssettm $0x1  }
0x91: {  	s18 =	sld [smem:$0x3FFB];
	_ =	sdelay $0x3  }
0x92: {  	_ =	strace s18  }
0x93: {  	s3 =	sld [smem:$0x3FFC];
	_ =	sdelay $0x3  }
0x94: {  	_ =	strace s3  }
0x95: {  	s3 =	sld [smem:$0x3FFD];
	_ =	sdelay $0x3  }
0x96: {  	_ =	strace s3  }
0x97: {  	_ =	strace $0x8FFFFFFF  }
0x98: {  	s19 =	sld [smem:$0x3FDB];
	_ =	sdelay $0x1  }
0x99: {  	s4 =	simm.s32 $_scs_section_size  }
0x9a: {  	s5 =	simm.s32 $_size__tile_overlayer_lowered;
	s6 =	simm.s32 $_tile_overlayer_lowered  }
0x9b: {  	s22 =	simm.s32 $0x1BFF;
	s21 =	sshll.u32 s6, $0x1;
	s3 =	sadd.s32 s4, s19  }
0x9c: {  	s7 =	simm.s32 $0x0;
	s20 =	sshll.u32 s5, $0x1;
	s5 =	sadd.s32 s21, s3  }
0x9d: {  	[timem:s7], [sflag:s22] =	dma.local [hbm:s5], s20  }
0x9e: {  	_ =	swait.ge [sflag:s22], s20  }
0x9f: {  	s4 =	ssub.s32 $0x0, s20;
	[sflag:s22] =	ssyncset.done $0x0  }
0xa0: {  	[sflag:s22] =	ssyncadd.s32 s4;
	_ =	sdelay $0x1  }
0xa1: {  	s23 =	simm.s32 $0x1B8B  }
0xa2: {  	_ =	swait.ge [sflag:s23], $0x1  }
0xa3: {  	[sflag:s23] =	ssyncset.done $0x0  }
0xa4: {  	s25 =	simm.s32 $0x1B8E;
	s24 =	sld [smem:$0x3FFE];
	[sflag:s23] =	ssyncadd.s32 $0xFFFFFFFF  }
0xa5: {  	s26 =	simm.s32 $execute0_lowered;
	[smem:$0x3FD2] =	sst s25  }
0xa6: {  	s5 =	sshll.u32 s26, $0x1;
	_ =	strace $0x80000046;
	[dreg:$0x1] =	wrdreg $0xFFFFFFFF  }
0xa7: {  	s28 =	simm.s32 $_size_execute0_lowered;
	s3 =	sadd.s32 s3, s5;
	[dreg:$0x0] =	wrdreg $0x0  }
0xa8: {  	s5 =	sshll.u32 s28, $0x1;
	[dreg:$0x2] =	wrdreg s3  }
0xa9: {  	[dreg:$0x3] =	wrdreg s5  }
0xaa: {  	[dreg:$0x4] =	wrdreg $0xC0  }
0xab: {  	_ =	task [dreg:s7], $0x5FFFF  }
0xac: {  	[dreg:$0x1] =	wrdreg $0xFFFFFFFF  }
0xad: {  	[dreg:$0x0] =	wrdreg $0x60  }
0xae: {  	[dreg:$0x2] =	wrdreg s24  }
0xaf: {  	[dreg:$0x3] =	wrdreg s2  }
0xb0: {  	[dreg:$0x4] =	wrdreg $0x9  }
0xb1: {  	_ =	task.clear_ibuf [dreg:s7], $0x5FFFF;
	_ =	strace $0x90000046  }
0xb2: {  	s29 =	simm.s32 $0x9;
	_ =	strace $0x80000048  }
0xb3: {  	_ =	swait.ge [sflag:s29], $0x1  }
0xb4: {  	[sflag:s29] =	ssyncadd.s32 $0xFFFFFFFF  }
0xb5: {  	_ =	strace $0x90000048  }
0xb6: {  	_ =	sfence  }
0xb7: {  	s30 =	sld [smem:$0x0];
	_ =	sdelay $0x2  }
0xb8: {  	s31 =	sshll.u32 s1, $0xD;
	s1 =	sshrl.u32 s1, $0x2  }
0xb9: {  	s3 =	sand.u32 $0x4000, s31;
	s1 =	sadd.s32 s1, s30  }
0xba: {  	s0 =	sor.u32 s3, s0;
	s1 =	sshll.u32 s1, $0x11  }
0xbb: {  	s0 =	sor.u32 s1, s0  }
0xbc: {  	s0 =	sadd.s32 $0x8F2B, s0  }
0xbd: {  	[sflag:s0] =	ssyncadd.remote.s32 $0x1  }
0xbe: {  	_ =	sfence.sel $0xFFFF  }
0xbf: {  	[dreg:$0x0] =	wrdreg $0xFFFFFFFF;
	(pc) =	sbr.abs _section_cstart, $3  }
0xc0: {  	[dreg:$0x1] =	wrdreg $0xFFFFFFFF  }
0xc1: {  	_ =	task.clear_ibuf [dreg:s7], $0x2FFFF;
	_ =	strace $0x9FFFFFFF  }
0xc2: {  	(tm) =	ssettm $0x7FFFFFFF  }
0xc3: {  	_ =	shalt  }
tec
execute0_lowered:
.L_overlay_start_1:
0x0: {  	(tag) =	ssettag $0x1  }
0x1: {  	s1 =	srdreg.scid  }
0x2: {  	s0 =	stileid.u32;
	s4 =	rddreg [dreg:$0x0]  }
0x3: {  	s2 =	rddreg [dreg:$0x1];
	s3 =	simm.s32 $0x0;
	s12 =	simm.s32 $0x200  }
0x4: {  	s13 =	simm.s32 $0x6400;
	s14 =	simm.s32 $0xE400;
	s15 =	simm.s32 $0x1  }
0x5: {  	s16 =	simm.s32 $0x3;
	s17 =	simm.s32 $0x2;
	s18 =	simm.s32 $0x4  }
0x6: {  	s5 =	sand.u32 $0x1, s1;
	s30 =	sshll.u32 s0, $0x1;
	s8 =	smul.u32 $0x320000, s0  }
0x7: {  	s19 =	simm.s32 $0x0;
	s6 =	sor.u32 s5, s30;
	s9 =	smul.u32 $0x190000, s5  }
0x8: {  	s1 =	rddreg [dreg:$0x2];
	s5 =	ssub.s32 $0x2, s5;
	s7 =	smul.u32 $0xC80, s6  }
0x9: {  	[smem:$0x7FF] =	sst s3;
	s6 =	smul.u32 $0x190000, s6;
	s10 =	sshrl.u32 s5, $0x1  }
0xa: {  	_ =	strace $0x80000047;
	s11 =	sadd.s32 s9, s8;
	s31 =	ssub.s32 s5, s10  }
0xb: {  	s7 =	sadd.s32 s7, s4;
	s4 =	sadd.s32 $0xF42E00, s4;
	s6 =	sshrl.u32 s6, $0x3  }
0xc: {  	s9 =	sor.u32 $0x8000, s11;
	s8 =	smax.u32 s31, $0x1;
	s10 =	sadd.s32 $0x10000, s11  }
0xd: {  	s11 =	simm.s32 $0x5;
	s5 =	sadd.s32 s2, s6;
	s9 =	sshrl.u32 s9, $0x3  }
0xe: {  	s6 =	sadd.s32 $0xA00, s7;
	s7 =	sadd.s32 $0x31000, s5;
	s9 =	sadd.s32 s9, s2  }
.LBB2_1:
0xf: {  	[tilespmem:s3], [sflag:$0x5] =	stream.linear.gather [hbm4b:s6+s3], $0x6400, $0x38;
	[tilespmem:$0x16400] =	vst v63  }
0x10: {  	_ =	swait.ge [sflag:s11], $0x6400  }
0x11: {  	[sflag:s11] =	ssyncset.done $0x0  }
0x12: {  	[sflag:s11] =	ssyncadd.s32 $0xFFFF9C00  }
0x13: {  	[tilespmem:s13], [sflag:$0x1] =	stream.indirect.gather [hbm4b:s4+s12], $0x40, s3, s12, $0xb8;
	[tilespmem:$0x16400] =	vst v63  }
0x14: {  	_ = 	snop  }
0x15: {  	[tilespmem:s14], [sflag:$0x2] =	stream.indirect.gather [hbm4b:s4+s12], $0x40, s12, s12, $0xb8;
	[tilespmem:$0x16400] =	vst v63  }
0x16: {  	_ =	swait.ge [sflag:s15], $0x8000  }
0x17: {  	[sflag:s15] =	ssyncset.done $0x0  }
0x18: {  	[sflag:s15] =	ssyncadd.s32 $0xFFFF8000  }
0x19: {  	[hbm4b:s5+s3] =	stream.linear.scatter [tilespmem:s13], [sflag:$0x3], $0x8000, $0x38;
	[tilespmem:$0x16400] =	vst v63  }
0x1a: {  	_ =	swait.ge [sflag:s16], $0x8000  }
0x1b: {  	[sflag:s16] =	ssyncset.done $0x0  }
0x1c: {  	s20 =	simm.s32 $0x400;
	[sflag:s16] =	ssyncadd.s32 $0xFFFF8000  }
0x1d: {  	[tilespmem:s13], [sflag:$0x1] =	stream.indirect.gather [hbm4b:s4+s12], $0x40, s20, s12, $0xb8;
	[tilespmem:$0x16400] =	vst v63  }
0x1e: {  	_ =	swait.ge [sflag:s17], $0x8000  }
0x1f: {  	[sflag:s17] =	ssyncset.done $0x0  }
0x20: {  	s30 =	sadd.s32 $0x0, s9;
	[sflag:s17] =	ssyncadd.s32 $0xFFFF8000  }
0x21: {  	[hbm4b:s30+s3] =	stream.linear.scatter [tilespmem:s14], [sflag:$0x4], $0x8000, $0x38;
	[tilespmem:$0x16400] =	vst v63  }
0x22: {  	_ =	swait.ge [sflag:s18], $0x8000  }
0x23: {  	[sflag:s18] =	ssyncset.done $0x0  }
0x24: {  	s31 =	simm.s32 $0x600;
	[sflag:s18] =	ssyncadd.s32 $0xFFFF8000  }
0x25: {  	[tilespmem:s14], [sflag:$0x2] =	stream.indirect.gather [hbm4b:s4+s12], $0x40, s31, s12, $0xb8;
	[tilespmem:$0x16400] =	vst v63  }
0x26: {  	s22 =	sshrl.u32 s10, $0x3;
	_ =	swait.ge [sflag:s15], $0x8000  }
0x27: {  	s21 =	sadd.s32 $0x10000, s10;
	s23 =	sadd.s32 s2, s22;
	[sflag:s15] =	ssyncset.done $0x0  }
0x28: {  	s22 =	simm.s32 $0xA00;
	s20 =	simm.s32 $0x2000;
	[sflag:s15] =	ssyncadd.s32 $0xFFFF8000  }
.LBB2_2:
0x29: {  	[hbm4b:s23+s3] =	stream.linear.scatter [tilespmem:s13], [sflag:$0x3], $0x8000, $0x38;
	[tilespmem:$0x16400] =	vst v63  }
0x2a: {  	s23 =	smov.u32 s20  }
0x2b: {  	p0 =	sne.s32 s20, $0x2E000;
	s20 =	sadd.s32 $0x2000, s20;
	_ =	swait.ge [sflag:s16], $0x8000  }
0x2c: {  	[sflag:s16] =	ssyncset.done $0x0  }
0x2d: {  	s24 =	sadd.s32 $0xFFFFFE00, s22;
	[sflag:s16] =	ssyncadd.s32 $0xFFFF8000  }
0x2e: {  	[tilespmem:s13], [sflag:$0x1] =	stream.indirect.gather [hbm4b:s4+s12], $0x40, s24, s12, $0xb8;
	[tilespmem:$0x16400] =	vst v63  }
0x2f: {  	_ =	swait.ge [sflag:s17], $0x8000  }
0x30: {  	[sflag:s17] =	ssyncset.done $0x0  }
0x31: {  	s23 =	sadd.s32 s23, s9;
	[sflag:s17] =	ssyncadd.s32 $0xFFFF8000  }
0x32: {  	[hbm4b:s23+s3] =	stream.linear.scatter [tilespmem:s14], [sflag:$0x4], $0x8000, $0x38;
	[tilespmem:$0x16400] =	vst v63  }
0x33: {  	_ =	swait.ge [sflag:s18], $0x8000  }
0x34: {  	[sflag:s18] =	ssyncset.done $0x0  }
.Ltmp0:
0x35: {  	[sflag:s18] =	ssyncadd.s32 $0xFFFF8000;
	(pc) =	sbr.rel @p0 .LBB2_2-.Ltmp0, $4  }
0x36: {  	[tilespmem:s14], [sflag:$0x2] =	stream.indirect.gather [hbm4b:s4+s12], $0x40, s22, s12, $0xb8;
	[tilespmem:$0x16400] =	vst v63  }
0x37: {  	_ =	swait.ge [sflag:s15], $0x8000  }
0x38: {  	s23 =	sshrl.u32 s21, $0x3;
	s21 =	sadd.s32 $0x10000, s21;
	[sflag:s15] =	ssyncset.done $0x0  }
0x39: {  	s23 =	sadd.s32 s2, s23;
	s22 =	sadd.s32 $0x400, s22;
	[sflag:s15] =	ssyncadd.s32 $0xFFFF8000  }
0x3a: {  	[hbm4b:s23+s3] =	stream.linear.scatter [tilespmem:s13], [sflag:$0x3], $0x8000, $0x38;
	[tilespmem:$0x16400] =	vst v63  }
0x3b: {  	_ =	swait.ge [sflag:s17], $0x8000  }
0x3c: {  	[sflag:s17] =	ssyncset.done $0x0  }
0x3d: {  	s19 =	sadd.s32 $0x1, s19;
	[sflag:s17] =	ssyncadd.s32 $0xFFFF8000  }
0x3e: {  	[hbm4b:s7+s3] =	stream.linear.scatter [tilespmem:s14], [sflag:$0x4], $0x8000, $0x38;
	[tilespmem:$0x16400] =	vst v63  }
0x3f: {  	p0 =	sne.s32 s19, s8;
	_ =	swait.ge [sflag:s16], $0x8000  }
.Ltmp1:
0x40: {  	[sflag:s16] =	ssyncset.done $0x0;
	(pc) =	sbr.rel @p0 .LBB2_1-.Ltmp1, $4  }
0x41: {  	[sflag:s16] =	ssyncadd.s32 $0xFFFF8000  }
0x42: {  	_ =	swait.ge [sflag:s18], $0x8000  }
0x43: {  	[sflag:s18] =	ssyncset.done $0x0  }
0x44: {  	[sflag:s18] =	ssyncadd.s32 $0xFFFF8000  }
0x45: {  	_ =	sfence.sel $0x180000  }
0x46: {  	[bflag:$0x0] =	sbarrier.arrive $0xFFFF  }
0x47: {  	p0 =	sne.s32 s0, $0x0;
	_ =	strace $0x90000047  }
0x48: {  	s0 =	sadd.s32 @!p0 $0x100000, s1;
	[bflag:$0x2] =	sbarrier.arrive $0xFFFF  }
0x49: {  	[sflag:s0] =	ssyncadd.tile.s32 @!p0 $0x1;
	_ =	shalt  }
.Lfunc_end2:
_tile_overlayer_lowered:
.L_overlay_start_2:
0x4a: {  	(tag) =	ssettag $0x2  }
0x4b: {  	s0 =	rddreg [dreg:$0x0];
	s2 =	stileid.u32  }
0x4c: {  	s1 =	rddreg [dreg:$0x1];
	p0 =	sne.s32 s2, $0x0  }
0x4d: {  	s3 =	rddreg [dreg:$0x2];
	[bflag:$0x3] =	sbarrier.arrive $0xFFFF;
	s2 =	simm.s32 @!p0 $0x1C05  }
0x4e: {  	[timem:s3], [sflag:s2] =	dma.local @!p0 [hbm:s0], s1  }
0x4f: {  	s0 =	simm.s32 @!p0 $0x5  }
0x50: {  	_ =	swait.ge @!p0 [sflag:s0], s1  }
0x51: {  	s1 =	ssub.s32 @!p0 $0x0, s1;
	[sflag:s0] =	ssyncset.done @!p0 $0x0  }
0x52: {  	[sflag:s0] =	ssyncadd.s32 @!p0 s1  }
0x53: {  	[bflag:$0x3] =	sbarrier.arrive $0xFFFF  }
0x54: {  	_ =	shalt  }

// kernel: sparse-core-data-format-call.cloned.1.call-start
scs
called_computation_lowered:
.L_overlay_start_0:
0x0: {  	s2 =	sld [smem:$0x3FD9]  }
0x1: {  	s3 =	sld [smem:$0x3FFE];
	_ =	sdelay $0x1  }
0x2: {  	s1 =	srdreg.scid  }
0x3: {  	s0 =	sand.u32 $0x1, s1  }
0x4: {  	s18 =	sshll.u32 s0, $0xA;
	s2 =	sadd.s32 s3, s2  }
0x5: {  	s2 =	sadd.s32 s2, s18  }
0x6: {  	[smem:$0x3FC6] =	sst s2  }
0x7: {  	_ = 	snop  }
0x8: {  	s2 =	sld [smem:$0x3FD0];
	(tm) =	ssettm $0x1  }
0x9: {  	s19 =	sld [smem:$0x3FFB];
	_ =	sdelay $0x3  }
0xa: {  	_ =	strace s19  }
0xb: {  	s3 =	sld [smem:$0x3FFC];
	_ =	sdelay $0x3  }
0xc: {  	_ =	strace s3  }
0xd: {  	s3 =	sld [smem:$0x3FFD];
	_ =	sdelay $0x3  }
0xe: {  	_ =	strace s3  }
0xf: {  	_ =	strace $0x8FFFFFFF  }
0x10: {  	s20 =	sld [smem:$0x3FDB];
	_ =	sdelay $0x1  }
0x11: {  	s4 =	simm.s32 $_scs_section_size  }
0x12: {  	s5 =	simm.s32 $_size__tile_overlayer_lowered;
	s6 =	simm.s32 $_tile_overlayer_lowered  }
0x13: {  	s23 =	simm.s32 $0x1BFF;
	s22 =	sshll.u32 s6, $0x1;
	s3 =	sadd.s32 s4, s20  }
0x14: {  	s7 =	simm.s32 $0x0;
	s21 =	sshll.u32 s5, $0x1;
	s5 =	sadd.s32 s22, s3  }
0x15: {  	[timem:s7], [sflag:s23] =	dma.local [hbm:s5], s21  }
0x16: {  	_ =	swait.ge [sflag:s23], s21  }
0x17: {  	s4 =	ssub.s32 $0x0, s21;
	[sflag:s23] =	ssyncset.done $0x0  }
0x18: {  	[sflag:s23] =	ssyncadd.s32 s4;
	_ =	sdelay $0x1  }
0x19: {  	s24 =	simm.s32 $0x1B8B  }
0x1a: {  	_ =	swait.ge [sflag:s24], $0x1  }
0x1b: {  	[sflag:s24] =	ssyncset.done $0x0  }
0x1c: {  	s26 =	simm.s32 $0x1B8E;
	s25 =	sld [smem:$0x3FFE];
	[sflag:s24] =	ssyncadd.s32 $0xFFFFFFFF  }
0x1d: {  	s27 =	simm.s32 $execute0_lowered;
	[smem:$0x3FD2] =	sst s26  }
0x1e: {  	s5 =	sshll.u32 s27, $0x1;
	_ =	strace $0x80000049;
	[dreg:$0x1] =	wrdreg $0xFFFFFFFF  }
0x1f: {  	s28 =	simm.s32 $_size_execute0_lowered;
	s3 =	sadd.s32 s3, s5;
	[dreg:$0x0] =	wrdreg $0x0  }
0x20: {  	s5 =	sshll.u32 s28, $0x1;
	[dreg:$0x2] =	wrdreg s3  }
0x21: {  	[dreg:$0x3] =	wrdreg s5  }
0x22: {  	[dreg:$0x4] =	wrdreg $0xC0  }
0x23: {  	_ =	task [dreg:s7], $0x5FFFF  }
0x24: {  	[dreg:$0x1] =	wrdreg $0xFFFFFFFF  }
0x25: {  	[dreg:$0x0] =	wrdreg $0x60  }
0x26: {  	[dreg:$0x2] =	wrdreg s25  }
0x27: {  	[dreg:$0x3] =	wrdreg s2  }
0x28: {  	[dreg:$0x4] =	wrdreg $0x9  }
0x29: {  	_ =	task.clear_ibuf [dreg:s7], $0x5FFFF;
	_ =	strace $0x90000049  }
0x2a: {  	s29 =	simm.s32 $0x9;
	_ =	strace $0x8000004B  }
0x2b: {  	_ =	swait.ge [sflag:s29], $0x1  }
0x2c: {  	[sflag:s29] =	ssyncadd.s32 $0xFFFFFFFF  }
0x2d: {  	_ =	strace $0x9000004B  }
0x2e: {  	_ =	sfence  }
0x2f: {  	s30 =	sld [smem:$0x0];
	_ =	sdelay $0x2  }
0x30: {  	s31 =	sshll.u32 s1, $0xD;
	s1 =	sshrl.u32 s1, $0x2  }
0x31: {  	s3 =	sand.u32 $0x4000, s31;
	s1 =	sadd.s32 s1, s30  }
0x32: {  	s0 =	sor.u32 s3, s0;
	s1 =	sshll.u32 s1, $0x11  }
0x33: {  	s0 =	sor.u32 s1, s0  }
0x34: {  	s0 =	sadd.s32 $0x8F2B, s0  }
0x35: {  	[sflag:s0] =	ssyncadd.remote.s32 $0x1  }
0x36: {  	_ =	sfence.sel $0xFFFF  }
0x37: {  	[dreg:$0x0] =	wrdreg $0xFFFFFFFF;
	(pc) =	sbr.abs _section_cstart, $3  }
0x38: {  	[dreg:$0x1] =	wrdreg $0xFFFFFFFF  }
0x39: {  	_ =	task.clear_ibuf [dreg:s7], $0x2FFFF;
	_ =	strace $0x9FFFFFFF  }
0x3a: {  	(tm) =	ssettm $0x7FFFFFFF  }
0x3b: {  	_ =	shalt  }
tec
execute0_lowered:
.L_overlay_start_1:
0x0: {  	(tag) =	ssettag $0x1  }
0x1: {  	s0 =	srdreg.scid  }
0x2: {  	s1 =	sshll.u32 s0, $0x4  }
0x3: {  	s0 =	stileid.u32;
	s1 =	sand.u32 $0x10, s1  }
0x4: {  	s1 =	sor.u32 s0, s1  }
0x5: {  	s6 =	rddreg [dreg:$0x0];
	s4 =	simm.s32 $0x1;
	s2 =	sshll.u32 s1, $0x7  }
0x6: {  	s7 =	simm.s32 $0x2;
	s12 =	simm.s32 $0x0;
	s1 =	ssub.s32 $0x4000, s2  }
0x7: {  	s8 =	simm.s32 $0x20000;
	s13 =	simm.s32 $0x0;
	s3 =	sand.u32 $0xF80, s1  }
0x8: {  	s9 =	simm.s32 $0x0;
	s5 =	sshrl.u32 s1, $0xC;
	p0 =	sne.s32 s3, $0x0  }
.Ltmp0:
0x9: {  	s1 =	rddreg [dreg:$0x2];
	s4 =	simm.s32 @!p0 $0x0;
	(pc) =	sbr.rel .LBB1_1-.Ltmp0, $4  }
0xa: {  	s11 =	simm.s32 $0x0;
	s3 =	rddreg [dreg:$0x1];
	s5 =	sadd.s32 s4, s5  }
0xb: {  	_ =	strace $0x8000004A;
	s4 =	simm.s32 $0x1;
	s5 =	smul.u32 $0x32, s5  }
0xc: {  	s6 =	sadd.s32 $0xA00, s6;
	s10 =	smov.u32 s2;
	[sflag:s4] =	ssyncpa.u1 $0x0  }
0xd: {  	p0 =	por $0x0, $0x0;
	[sflag:s7] =	ssyncpa.u1 $0x0;
	s7 =	sor.u32 $0x1, s5  }
.LBB1_4:
0xe: {  	s16 =	sshll.u32 s13, $0x3;
	s17 =	sand.u32 $0x78, s13  }
0xf: {  	s30 =	sand.u32 $0x1F800, s13;
	s12 =	sshll.u32 s12, $0x11;
	s16 =	sand.u32 $0x3C00, s16  }
0x10: {  	[tilespmem:s15+$0x810 ss:$0x81] =	vst.msk $0xffff, v2;
	s31 =	sand.u32 $0x7, s13;
	s16 =	sor.u32 s17, s16;
	s17 =	sadd.s32 s3, s30  }
0x11: {  	[tilespmem:s15+$0x1020 ss:$0x81] =	vst.msk $0xffff, v0;
	s13 =	sshll.u32 s31, $0x12;
	s12 =	sadd.s32 s12, s17;
	s16 =	sshrl.u32 s16, $0x3  }
0x12: {  	[tilespmem:s15+$0x0 ss:$0x81] =	vst.msk $0xffff, v1;
	s13 =	sor.u32 $0x400, s13;
	s12 =	sadd.s32 s16, s12  }
0x13: {  	[hbm4b:s12+s13] =	stream.strided.scatter [tilespmem:s14], [sflag:$0x2], $0x2000, s8, s13, $0x20;
	[tilespmem:$0x8080] =	vst v63  }
.LBB1_5:
0x14: {  	s14 =	sadd.s32 $0x1, s9  }
0x15: {  	s12 =	sadd.s32 $0x1000, s10;
	s16 =	smov.u32 s10;
	p2 =	sgt.s32 s14, $0x31  }
0x16: {  	s16 =	smov.u32 @p2 s12  }
0x17: {  	s14 =	simm.s32 @p2 $0x0;
	p2 =	sgt.s32 s16, $0x3FFF  }
0x18: {  	s16 =	smov.u32 @p2 s2;
	p2 =	sne.s32 s11, s7  }
.Ltmp1:
0x19: {  	p1 =	slt.u32 s11, $0x2;
	(pc) =	sbr.rel @!p2 .LBB1_6-.Ltmp1, $4  }
0x1a: {  	s15 =	simm.s32 @!p1 $0x2  }
0x1b: {  	s13 =	smov.u32 s10;
	p0 =	por !p0, !p0;
	_ =	swait.ge @!p1 [sflag:s15], $0x2000  }
0x1c: {  	s12 =	smov.u32 s9;
	[sflag:s15] =	ssyncset.done @!p1 $0x0;
	s9 =	smov.u32 s14  }
0x1d: {  	s11 =	sadd.s32 $0x1, s11;
	[sflag:s15] =	ssyncadd.s32 @!p1 $0xFFFFE000;
	s10 =	smov.u32 s16  }
.LBB1_1:
0x1e: {  	p1 =	sge.u32 s11, s5  }
0x1f: {  	s14 =	sand.u32 @!p1 $0x1FFFFFF, s9  }
0x20: {  	s15 =	smulhi.u32 @!p1 $0x4924925, s14;
	_ =	sdelay $0x1  }
0x21: {  	s15 =	smul.u32 @!p1 $0x38, s15  }
0x22: {  	s16 =	sxor.u32 @!p1 $0xFFFFFFFF, s11;
	s17 =	smul.u32 @!p1 $0x380, s10  }
0x23: {  	s31 =	sadd.s32 $0xFFFFFFFF, s11;
	s16 =	sshll.u32 @!p1 s16, $0xD;
	s14 =	ssub.s32 @!p1 s14, s15  }
0x24: {  	s15 =	sand.u32 @!p1 $0x2000, s16;
	s16 =	sadd.s32 @!p1 s6, s17;
	s14 =	sshll.u32 @!p1 s14, $0x4  }
0x25: {  	s17 =	simm.s32 @!p1 $0x1C00;
	s14 =	sadd.s32 @!p1 s14, s16;
	s16 =	simm.s32 @!p1 $0x40  }
0x26: {  	[tilespmem:s15], [sflag:$0x1] =	stream.strided.gather @!p1 [hbm4b:s14+s16], $0x2000, s17, s16, $0x38;
	[tilespmem:$0x8080] =	vst v63  }
0x27: {  	p1 =	sge.u32 s31, s5  }
.Ltmp2:
0x28: {  	_ = 	snop;
	(pc) =	sbr.rel @p1 .LBB1_5-.Ltmp2, $1  }
0x29: {  	_ =	sdelay $0x3  }
0x2a: {  	s14 =	simm.s32 $0x1  }
0x2b: {  	_ =	swait.ge [sflag:s4], $0x2000;
	s14 =	simm.s32 @!p0 $0x0  }
0x2c: {  	[sflag:s4] =	ssyncset.done $0x0;
	s15 =	sshll.u32 s14, $0xD  }
0x2d: {  	[sflag:s4] =	ssyncadd.s32 $0xFFFFE000;
	s18 =	sor.u32 $0x20, s15  }
0x2e: {  	s14 =	smul.u32 $0x8100, s14;
	v3 =	vld [tilespmem:s18+$0x10]  }
0x2f: {  	s30 =	sand.u32 $0x1, s11;
	v2 =	vld [tilespmem:s18+$0xFFFFFFF0]  }
0x30: {  	s15 =	smul.u32 $0x8100, s30;
	s14 =	sshrl.u32 s14, $0x2;
	v0 =	vld [tilespmem:s18+$0x0]  }
0x31: {  	v1 =	vld [tilespmem:s18+$0xFFFFFFE0];
	s16 =	sor.u32 $0x4000, s14  }
0x32: {  	s31 =	sshrl.u32 s15, $0x2;
	s15 =	sadd.s32 $0x0, s16  }
0x33: {  	s17 =	simm.s32 $0x4;
	s18 =	sadd.s32 $0x40, s18;
	s14 =	sor.u32 $0x4000, s31;
	[tilespmem:s15+$0x1830 ss:$0x81] =	vst.msk $0xffff, v3  }
.LBB1_3:
0x34: {  	v3 =	vld [tilespmem:s18+$0x10];
	p1 =	sne.s32 s17, $0x1FC;
	[tilespmem:s15+$0x810 ss:$0x81] =	vst.msk $0xffff, v2;
	s19 =	smov.u32 s17;
	s17 =	sadd.s32 $0x4, s17  }
.Ltmp3:
0x35: {  	v2 =	vld [tilespmem:s18+$0xFFFFFFF0];
	[tilespmem:s15+$0x1020 ss:$0x81] =	vst.msk $0xffff, v0;
	(pc) =	sbr.rel @p1 .LBB1_3-.Ltmp3, $4  }
0x36: {  	v0 =	vld [tilespmem:s18+$0x0];
	[tilespmem:s15+$0x0 ss:$0x81] =	vst.msk $0xffff, v1  }
0x37: {  	s15 =	sshra.s32 s19, $0x2;
	v1 =	vld [tilespmem:s18+$0xFFFFFFE0]  }
0x38: {  	s15 =	sadd.s32 s15, s16  }
0x39: {  	s18 =	sadd.s32 $0x40, s18;
	[tilespmem:s15+$0x1830 ss:$0x81] =	vst.msk $0xffff, v3  }
.Ltmp4:
0x3a: {  	_ = 	snop;
	(pc) =	sbr.rel .LBB1_4-.Ltmp4, $1  }
0x3b: {  	_ =	sdelay $0x3  }
.LBB1_6:
0x3c: {  	_ =	sfence.sel $0x180000  }
0x3d: {  	s2 =	simm.s32 $0x1;
	[bflag:$0x0] =	sbarrier.arrive $0xFFFF  }
0x3e: {  	s31 =	simm.s32 $0x2;
	[sflag:s2] =	ssyncpa.u1 $0x1  }
0x3f: {  	[sflag:s31] =	ssyncpa.u1 $0x1  }
0x40: {  	p0 =	sne.s32 s0, $0x0;
	_ =	strace $0x9000004A  }
0x41: {  	s0 =	sadd.s32 @!p0 $0x100000, s1;
	[bflag:$0x2] =	sbarrier.arrive $0xFFFF  }
0x42: {  	[sflag:s0] =	ssyncadd.tile.s32 @!p0 $0x1;
	_ =	shalt  }
.Lfunc_end1:
_tile_overlayer_lowered:
.L_overlay_start_2:
0x43: {  	(tag) =	ssettag $0x2  }
0x44: {  	s0 =	rddreg [dreg:$0x0];
	s2 =	stileid.u32  }
0x45: {  	s1 =	rddreg [dreg:$0x1];
	p0 =	sne.s32 s2, $0x0  }
0x46: {  	s3 =	rddreg [dreg:$0x2];
	[bflag:$0x3] =	sbarrier.arrive $0xFFFF;
	s2 =	simm.s32 @!p0 $0x1C01  }
0x47: {  	[timem:s3], [sflag:s2] =	dma.local @!p0 [hbm:s0], s1  }
0x48: {  	s0 =	simm.s32 @!p0 $0x1  }
0x49: {  	_ =	swait.ge @!p0 [sflag:s0], s1  }
0x4a: {  	s1 =	ssub.s32 @!p0 $0x0, s1;
	[sflag:s0] =	ssyncset.done @!p0 $0x0  }
0x4b: {  	[sflag:s0] =	ssyncadd.s32 @!p0 s1  }
0x4c: {  	[bflag:$0x3] =	sbarrier.arrive $0xFFFF  }
0x4d: {  	_ =	shalt  }

</sc_bundles>
